<compile_context>
chip_gen: v7x
topology: tpu7x:2x2x1
jax: 0.10.2.dev20260603
libtpu: 0.0.44.dev20260713+nightly
codegen_flags: <defaults>
</compile_context>

<pallas_src>
import functools

import jax
import jax.numpy as jnp
from jax import lax
from jax.experimental import pallas as pl
from jax.experimental.pallas import tpu as pltpu
from jax.experimental.pallas import tpu_sc as plsc

N_SRC = 10000
N_DST = 10000
CH = 128
E = 320000
B = 128
NCHUNK = E // B
NC = 2
NS = 16
NW = NC * NS
ROWS_PAD = 10240
ZCH = ROWS_PAD // NS // 5
KMAX = (NCHUNK + NW - 1) // NW

_mesh = plsc.VectorSubcoreMesh(
    core_axis_name="c", subcore_axis_name="s", num_cores=NC, num_subcores=NS)


@functools.partial(
    pl.kernel,
    out_type=(
        jax.ShapeDtypeStruct((NC, ROWS_PAD, CH), jnp.float32),
        jax.ShapeDtypeStruct((NW, ROWS_PAD), jnp.float32),
    ),
    mesh=_mesh,
    scratch_types=[
        pltpu.VMEM_SHARED((ROWS_PAD, CH), jnp.float32),
        pltpu.VMEM((2, B), jnp.int32),
        pltpu.VMEM((2, B), jnp.int32),
        pltpu.VMEM((2, B, CH), jnp.float32),
        pltpu.VMEM((ROWS_PAD,), jnp.float32),
        pltpu.SemaphoreType.DMA,
        pltpu.SemaphoreType.DMA,
        pltpu.SemaphoreType.DMA,
        pltpu.SemaphoreType.DMA,
    ],
    compiler_params=pltpu.CompilerParams(needs_layout_passes=False),
)
def _sc_aggregate(x_hbm, edge_hbm, out_hbm, cnt_hbm,
                  acc, idx_s, idx_d, rows, cnt,
                  semi0, semi1, semg0, semg1):
    c = lax.axis_index("c")
    s = lax.axis_index("s")
    wid = s * NC + c
    semi = (semi0, semi1)
    semg = (semg0, semg1)

    zeros16 = jnp.zeros((16,), jnp.float32)

    def zrow(r, carry):
        for j in range(CH // 16):
            rows[0, r, pl.ds(j * 16, 16)] = zeros16
        return carry
    lax.fori_loop(0, B, zrow, 0)

    def zcnt(r, carry):
        for j in range(4):
            cnt[pl.ds(r * 64 + j * 16, 16)] = zeros16
        return carry
    lax.fori_loop(0, ROWS_PAD // 64, zcnt, 0)

    for j in range(ROWS_PAD // NS // ZCH):
        r0 = s * (ROWS_PAD // NS) + j * ZCH
        pltpu.async_copy(rows.at[0], acc.at[pl.ds(r0, ZCH), :], semg0)
    for j in range(ROWS_PAD // NS // ZCH):
        r0 = s * (ROWS_PAD // NS) + j * ZCH
        pltpu.make_async_copy(rows.at[0], acc.at[pl.ds(r0, ZCH), :],
                              semg0).wait()
    plsc.subcore_barrier()

    ones16 = jnp.ones((16,), jnp.float32)

    def issue_idx(b, kk):
        base = (wid + kk * NW) * B
        pltpu.async_copy(edge_hbm.at[0, pl.ds(base, B)], idx_s.at[b], semi[b])
        pltpu.async_copy(edge_hbm.at[1, pl.ds(base, B)], idx_d.at[b], semi[b])

    def wait_idx(b):
        pltpu.make_async_copy(edge_hbm.at[0, pl.ds(0, B)], idx_s.at[b],
                              semi[b]).wait()
        pltpu.make_async_copy(edge_hbm.at[1, pl.ds(0, B)], idx_d.at[b],
                              semi[b]).wait()

    def issue_gather(b):
        pltpu.async_copy(x_hbm.at[idx_s.at[b]], rows.at[b], semg[b])

    def wait_gather(b):
        pltpu.make_async_copy(x_hbm.at[idx_s.at[b]], rows.at[b],
                              semg[b]).wait()

    def section(b, kk, chunk):
        @pl.when(chunk < NCHUNK)
        def _():
            nb = 1 - b

            @pl.when(chunk + NW < NCHUNK)
            def _():
                wait_idx(nb)
                issue_gather(nb)
            for j in range(B // 16):
                d16 = idx_d[b, pl.ds(j * 16, 16)]
                plsc.addupdate_scatter(cnt, [d16], ones16)
            wait_gather(b)
            pltpu.sync_copy(rows.at[b], acc.at[idx_d.at[b]], add=True)

            @pl.when(chunk + 2 * NW < NCHUNK)
            def _():
                issue_idx(b, kk + 2)

    issue_idx(0, 0)
    wait_idx(0)
    issue_gather(0)

    @pl.when(wid + NW < NCHUNK)
    def _():
        issue_idx(1, 1)

    def outer(t, carry):
        kk0 = 2 * t
        section(0, kk0, wid + kk0 * NW)
        section(1, kk0 + 1, wid + (kk0 + 1) * NW)
        return carry
    lax.fori_loop(0, (KMAX + 1) // 2, outer, 0)

    cnt_out = pltpu.async_copy(cnt, cnt_hbm.at[wid], semi0)

    plsc.subcore_barrier()

    for j in range(ROWS_PAD // NS // ZCH):
        b = j % 2
        r0 = s * (ROWS_PAD // NS) + j * ZCH
        if j >= 2:
            r0p = s * (ROWS_PAD // NS) + (j - 2) * ZCH
            pltpu.make_async_copy(rows.at[b],
                                  out_hbm.at[c, pl.ds(r0p, ZCH), :],
                                  semg[b]).wait()
        pltpu.sync_copy(acc.at[pl.ds(r0, ZCH), :], rows.at[b])
        pltpu.async_copy(rows.at[b], out_hbm.at[c, pl.ds(r0, ZCH), :],
                         semg[b])
    for j in (3, 4):
        b = j % 2
        r0 = s * (ROWS_PAD // NS) + j * ZCH
        pltpu.make_async_copy(rows.at[b], out_hbm.at[c, pl.ds(r0, ZCH), :],
                              semg[b]).wait()
    cnt_out.wait()


def _finish_body(a_ref, c_ref, w_ref, b_ref, o_ref):
    a = a_ref[0] + a_ref[1]
    cnt = jnp.sum(c_ref[...], axis=0)[:, None]
    y = jnp.dot(a, w_ref[...], preferred_element_type=jnp.float32)
    y = y * lax.rsqrt(1.0 + cnt) + b_ref[...]
    o_ref[...] = jnp.maximum(y, 0.0)


RBLK = 5120

_finish = pl.pallas_call(
    _finish_body,
    grid=(ROWS_PAD // RBLK,),
    in_specs=[
        pl.BlockSpec((NC, RBLK, CH), lambda i: (0, i, 0)),
        pl.BlockSpec((NW, RBLK), lambda i: (0, i)),
        pl.BlockSpec((CH, CH), lambda i: (0, 0)),
        pl.BlockSpec((1, CH), lambda i: (0, 0)),
    ],
    out_specs=pl.BlockSpec((RBLK, CH), lambda i: (i, 0)),
    out_shape=jax.ShapeDtypeStruct((ROWS_PAD, CH), jnp.float32),
)


def kernel(x, edge_index, W, b):
    x = x.astype(jnp.float32)
    partials, counts = _sc_aggregate(x, edge_index.astype(jnp.int32))
    out = _finish(partials, counts,
                  W.astype(jnp.float32), b.astype(jnp.float32).reshape(1, CH))
    return out[:N_DST]

# --- scband reference (transcript-rebuilt; emitter-appended) ---
"""Pipeline reference for scband-grip-net-external-module-66340064854088 (READ-ONLY COPY).

The authoritative reference and input builder live on the scoring server;
editing this copy changes nothing except your own understanding.
"""

import jax, jax.numpy as jnp
import numpy as np

N_SOURCE = 10000
NUM_OUT_NODE = 10000
IN_CH = 128
OUT_CH = 128
N_EDGES = 320000

def setup_inputs(seed: int = 0) -> dict:
    key = jax.random.key(seed)
    k1, k2, k3, k4 = jax.random.split(key, 4)
    x = jax.random.normal(k1, (N_SOURCE, IN_CH), dtype=jnp.float32)
    edge_index = jax.random.randint(k2, (2, N_EDGES), 0, 10000, dtype=jnp.int64)
    # GCN layer parameters (glorot-style init for weight, zeros for bias)
    W = jax.random.normal(k3, (IN_CH, OUT_CH), dtype=jnp.float32) * (1.0 / np.sqrt(IN_CH))
    b = jnp.zeros((OUT_CH,), dtype=jnp.float32)
    return {"x": x, "edge_index": edge_index, "W": W, "b": b}

def reference(x, edge_index, W, b):
    n_source = x.shape[0]
    n_feat = x.shape[1]
    N = n_source + NUM_OUT_NODE
    # build bipartite graph: offset destination indices by n_source
    row = edge_index[0]
    col = edge_index[1] + n_source
    # pad node features with zeros for output nodes
    x_full = jnp.concatenate([x, jnp.zeros((NUM_OUT_NODE, n_feat), dtype=x.dtype)], axis=0)
    # GCN: add self-loops with weight 1
    loop = jnp.arange(N, dtype=row.dtype)
    row_f = jnp.concatenate([row, loop])
    col_f = jnp.concatenate([col, loop])
    w = jnp.ones((row_f.shape[0],), dtype=x.dtype)
    # symmetric normalization: deg computed on destination (col)
    deg = jnp.zeros((N,), dtype=x.dtype).at[col_f].add(w)
    deg_inv_sqrt = jnp.where(deg > 0, deg ** -0.5, 0.0)
    norm = deg_inv_sqrt[row_f] * w * deg_inv_sqrt[col_f]
    # linear transform then message passing (gather + scatter-add)
    h = x_full @ W
    msgs = norm[:, None] * jnp.take(h, row_f, axis=0)
    out = jnp.zeros((N, W.shape[1]), dtype=x.dtype).at[col_f].add(msgs)
    out = out + b
    # slice output supervertex nodes and apply ReLU (use_relu=True default)
    out = out[n_source:, :]
    return jax.nn.relu(out)

if __name__ == "__main__":
    import jax
    _d = setup_inputs()
    print(jax.jit(kernel)(*tuple(_d.values())))

</pallas_src>

<mosaic_0001>
#map = affine_map<(d0, d1) -> (0, 0)>
#map1 = affine_map<(d0, d1) -> (0, 0, 0)>
module attributes {stable_mosaic.version = 14 : i64} {
  func.func @_sc_aggregate(%arg0: i32, %arg1: i32, %arg2: memref<10000x128xf32, #tpu.memory_space<hbm>>, %arg3: memref<2x320000xi32, #tpu.memory_space<hbm>>, %arg4: memref<2x10240x128xf32, #tpu.memory_space<hbm>>, %arg5: memref<32x10240xf32, #tpu.memory_space<hbm>>, %arg6: memref<10240x128xf32, #tpu.memory_space<vmem_shared>>, %arg7: memref<2x128xi32, #tpu.memory_space<vmem>>, %arg8: memref<2x128xi32, #tpu.memory_space<vmem>>, %arg9: memref<2x128x128xf32, #tpu.memory_space<vmem>>, %arg10: memref<10240xf32, #tpu.memory_space<vmem>>, %arg11: memref<!tpu.dma_semaphore, #tpu.memory_space<semaphore_mem>>, %arg12: memref<!tpu.dma_semaphore, #tpu.memory_space<semaphore_mem>>, %arg13: memref<!tpu.dma_semaphore, #tpu.memory_space<semaphore_mem>>, %arg14: memref<!tpu.dma_semaphore, #tpu.memory_space<semaphore_mem>>) attributes {dimension_semantics = [#tpu.dimension_semantics<core_parallel>, #tpu.dimension_semantics<subcore_parallel>], iteration_bounds = array<i64: 2, 16>, scalar_prefetch = 0 : i64, scratch_operands = 9 : i64, tpu.core_type = #tpu.core_type<sc_vector_subcore>, window_params = [{transform_indices = #map}, {transform_indices = #map}, {transform_indices = #map1}, {transform_indices = #map}]} {
    %mul3A = arith.constant 2 : i32
    %mul3A_0 = arith.muli %arg1, %mul3A : i32
    %add3A = arith.addi %mul3A_0, %arg0 : i32
    %broadcast_in_dim3A = arith.constant 0.000000e+00 : f32
    %broadcast_in_dim3A_1 = vector.broadcast %broadcast_in_dim3A : f32 to vector<16xf32>
    %scan3A = arith.constant 0 : i32
    %scan3A_2 = arith.constant 0 : i32
    %scan3A_3 = arith.constant 128 : i32
    %scan3A_4 = arith.addi %scan3A_2, %scan3A_3 : i32
    %scan3A_5 = arith.constant 1 : i32
    scf.for %scan3A_468 = %scan3A_2 to %scan3A_4 step %scan3A_5  : i32 {
      %swap3A = arith.constant 0 : i32
      %swap3A_469 = arith.index_cast %swap3A : i32 to index
      %swap3A_470 = arith.index_cast %scan3A_468 : i32 to index
      %swap3A_471 = arith.constant 0 : index
      %swap3A_472 = tpu.vector_load %arg9[%swap3A_469, %swap3A_470, %swap3A_471] {strides = array<i32>} : memref<2x128x128xf32, #tpu.memory_space<vmem>>, vector<16xf32>,
      tpu.vector_store %arg9[%swap3A_469, %swap3A_470, %swap3A_471], %broadcast_in_dim3A_1 {strides = array<i32>} : memref<2x128x128xf32, #tpu.memory_space<vmem>>, vector<16xf32>,
      %swap3A_473 = arith.constant 0 : i32
      %swap3A_474 = arith.index_cast %swap3A_473 : i32 to index
      %swap3A_475 = arith.index_cast %scan3A_468 : i32 to index
      %swap3A_476 = arith.constant 16 : index
      %swap3A_477 = tpu.vector_load %arg9[%swap3A_474, %swap3A_475, %swap3A_476] {strides = array<i32>} : memref<2x128x128xf32, #tpu.memory_space<vmem>>, vector<16xf32>,
      tpu.vector_store %arg9[%swap3A_474, %swap3A_475, %swap3A_476], %broadcast_in_dim3A_1 {strides = array<i32>} : memref<2x128x128xf32, #tpu.memory_space<vmem>>, vector<16xf32>,
      %swap3A_478 = arith.constant 0 : i32
      %swap3A_479 = arith.index_cast %swap3A_478 : i32 to index
      %swap3A_480 = arith.index_cast %scan3A_468 : i32 to index
      %swap3A_481 = arith.constant 32 : index
      %swap3A_482 = tpu.vector_load %arg9[%swap3A_479, %swap3A_480, %swap3A_481] {strides = array<i32>} : memref<2x128x128xf32, #tpu.memory_space<vmem>>, vector<16xf32>,
      tpu.vector_store %arg9[%swap3A_479, %swap3A_480, %swap3A_481], %broadcast_in_dim3A_1 {strides = array<i32>} : memref<2x128x128xf32, #tpu.memory_space<vmem>>, vector<16xf32>,
      %swap3A_483 = arith.constant 0 : i32
      %swap3A_484 = arith.index_cast %swap3A_483 : i32 to index
      %swap3A_485 = arith.index_cast %scan3A_468 : i32 to index
      %swap3A_486 = arith.constant 48 : index
      %swap3A_487 = tpu.vector_load %arg9[%swap3A_484, %swap3A_485, %swap3A_486] {strides = array<i32>} : memref<2x128x128xf32, #tpu.memory_space<vmem>>, vector<16xf32>,
      tpu.vector_store %arg9[%swap3A_484, %swap3A_485, %swap3A_486], %broadcast_in_dim3A_1 {strides = array<i32>} : memref<2x128x128xf32, #tpu.memory_space<vmem>>, vector<16xf32>,
      %swap3A_488 = arith.constant 0 : i32
      %swap3A_489 = arith.index_cast %swap3A_488 : i32 to index
      %swap3A_490 = arith.index_cast %scan3A_468 : i32 to index
      %swap3A_491 = arith.constant 64 : index
      %swap3A_492 = tpu.vector_load %arg9[%swap3A_489, %swap3A_490, %swap3A_491] {strides = array<i32>} : memref<2x128x128xf32, #tpu.memory_space<vmem>>, vector<16xf32>,
      tpu.vector_store %arg9[%swap3A_489, %swap3A_490, %swap3A_491], %broadcast_in_dim3A_1 {strides = array<i32>} : memref<2x128x128xf32, #tpu.memory_space<vmem>>, vector<16xf32>,
      %swap3A_493 = arith.constant 0 : i32
      %swap3A_494 = arith.index_cast %swap3A_493 : i32 to index
      %swap3A_495 = arith.index_cast %scan3A_468 : i32 to index
      %swap3A_496 = arith.constant 80 : index
      %swap3A_497 = tpu.vector_load %arg9[%swap3A_494, %swap3A_495, %swap3A_496] {strides = array<i32>} : memref<2x128x128xf32, #tpu.memory_space<vmem>>, vector<16xf32>,
      tpu.vector_store %arg9[%swap3A_494, %swap3A_495, %swap3A_496], %broadcast_in_dim3A_1 {strides = array<i32>} : memref<2x128x128xf32, #tpu.memory_space<vmem>>, vector<16xf32>,
      %swap3A_498 = arith.constant 0 : i32
      %swap3A_499 = arith.index_cast %swap3A_498 : i32 to index
      %swap3A_500 = arith.index_cast %scan3A_468 : i32 to index
      %swap3A_501 = arith.constant 96 : index
      %swap3A_502 = tpu.vector_load %arg9[%swap3A_499, %swap3A_500, %swap3A_501] {strides = array<i32>} : memref<2x128x128xf32, #tpu.memory_space<vmem>>, vector<16xf32>,
      tpu.vector_store %arg9[%swap3A_499, %swap3A_500, %swap3A_501], %broadcast_in_dim3A_1 {strides = array<i32>} : memref<2x128x128xf32, #tpu.memory_space<vmem>>, vector<16xf32>,
      %swap3A_503 = arith.constant 0 : i32
      %swap3A_504 = arith.index_cast %swap3A_503 : i32 to index
      %swap3A_505 = arith.index_cast %scan3A_468 : i32 to index
      %swap3A_506 = arith.constant 112 : index
      %swap3A_507 = tpu.vector_load %arg9[%swap3A_504, %swap3A_505, %swap3A_506] {strides = array<i32>} : memref<2x128x128xf32, #tpu.memory_space<vmem>>, vector<16xf32>,
      tpu.vector_store %arg9[%swap3A_504, %swap3A_505, %swap3A_506], %broadcast_in_dim3A_1 {strides = array<i32>} : memref<2x128x128xf32, #tpu.memory_space<vmem>>, vector<16xf32>,
    }
    %scan3A_6 = arith.constant 128 : i32
    %scan3A_7 = arith.constant 0 : i32
    %scan3A_8 = arith.constant 0 : i32
    %scan3A_9 = arith.constant 160 : i32
    %scan3A_10 = arith.addi %scan3A_8, %scan3A_9 : i32
    %scan3A_11 = arith.constant 1 : i32
    scf.for %scan3A_468 = %scan3A_8 to %scan3A_10 step %scan3A_11  : i32 {
      %mul3A_469 = arith.constant 64 : i32
      %mul3A_470 = arith.muli %scan3A_468, %mul3A_469 : i32
      %add3A_471 = arith.constant 0 : i32
      %add3A_472 = arith.addi %mul3A_470, %add3A_471 : i32
      %swap3A = arith.index_cast %add3A_472 : i32 to index
      %swap3A_473 = tpu.vector_load %arg10[%swap3A] {strides = array<i32>} : memref<10240xf32, #tpu.memory_space<vmem>>, vector<16xf32>,
      tpu.vector_store %arg10[%swap3A], %broadcast_in_dim3A_1 {strides = array<i32>} : memref<10240xf32, #tpu.memory_space<vmem>>, vector<16xf32>,
      %mul3A_474 = arith.constant 64 : i32
      %mul3A_475 = arith.muli %scan3A_468, %mul3A_474 : i32
      %add3A_476 = arith.constant 16 : i32
      %add3A_477 = arith.addi %mul3A_475, %add3A_476 : i32
      %swap3A_478 = arith.index_cast %add3A_477 : i32 to index
      %swap3A_479 = tpu.vector_load %arg10[%swap3A_478] {strides = array<i32>} : memref<10240xf32, #tpu.memory_space<vmem>>, vector<16xf32>,
      tpu.vector_store %arg10[%swap3A_478], %broadcast_in_dim3A_1 {strides = array<i32>} : memref<10240xf32, #tpu.memory_space<vmem>>, vector<16xf32>,
      %mul3A_480 = arith.constant 64 : i32
      %mul3A_481 = arith.muli %scan3A_468, %mul3A_480 : i32
      %add3A_482 = arith.constant 32 : i32
      %add3A_483 = arith.addi %mul3A_481, %add3A_482 : i32
      %swap3A_484 = arith.index_cast %add3A_483 : i32 to index
      %swap3A_485 = tpu.vector_load %arg10[%swap3A_484] {strides = array<i32>} : memref<10240xf32, #tpu.memory_space<vmem>>, vector<16xf32>,
      tpu.vector_store %arg10[%swap3A_484], %broadcast_in_dim3A_1 {strides = array<i32>} : memref<10240xf32, #tpu.memory_space<vmem>>, vector<16xf32>,
      %mul3A_486 = arith.constant 64 : i32
      %mul3A_487 = arith.muli %scan3A_468, %mul3A_486 : i32
      %add3A_488 = arith.constant 48 : i32
      %add3A_489 = arith.addi %mul3A_487, %add3A_488 : i32
      %swap3A_490 = arith.index_cast %add3A_489 : i32 to index
      %swap3A_491 = tpu.vector_load %arg10[%swap3A_490] {strides = array<i32>} : memref<10240xf32, #tpu.memory_space<vmem>>, vector<16xf32>,
      tpu.vector_store %arg10[%swap3A_490], %broadcast_in_dim3A_1 {strides = array<i32>} : memref<10240xf32, #tpu.memory_space<vmem>>, vector<16xf32>,
    }
    %scan3A_12 = arith.constant 160 : i32
    %mul3A_13 = arith.constant 640 : i32
    %mul3A_14 = arith.muli %arg1, %mul3A_13 : i32
    %add3A_15 = arith.constant 0 : i32
    %add3A_16 = arith.addi %mul3A_14, %add3A_15 : i32
    %dma_start3A = arith.constant 0 : i32
    %dma_start3A_17 = arith.constant 0 : i32
    %dma_start3A_18 = arith.constant 0 : i32
    %dma_start3A_19 = tpu.memref_slice %arg9[%dma_start3A, %dma_start3A_17, %dma_start3A_18] : memref<2x128x128xf32, #tpu.memory_space<vmem>> -> memref<1x128x128xf32, #tpu.memory_space<vmem>>
    %dma_start3A_20 = tpu.memref_squeeze %dma_start3A_19 : memref<1x128x128xf32, #tpu.memory_space<vmem>> -> memref<128x128xf32, #tpu.memory_space<vmem>>
    %dma_start3A_21 = arith.constant 0 : i32
    %dma_start3A_22 = tpu.memref_slice %arg6[%add3A_16, %dma_start3A_21] : memref<10240x128xf32, #tpu.memory_space<vmem_shared>> -> memref<128x128xf32, #tpu.memory_space<vmem_shared>>
    %dma_start3A_23 = arith.constant 0 : i32
    %dma_start3A_24 = tpu.memref_slice %arg6[%add3A_16, %dma_start3A_23] : memref<10240x128xf32, #tpu.memory_space<vmem_shared>> -> memref<128x128xf32, #tpu.memory_space<vmem_shared>>
    %dma_start3A_25 = arith.constant 0 : i32
    %dma_start3A_26 = arith.constant 0 : i32
    %dma_start3A_27 = tpu.memref_slice %arg9[%dma_start3A, %dma_start3A_25, %dma_start3A_26] : memref<2x128x128xf32, #tpu.memory_space<vmem>> -> memref<1x128x128xf32, #tpu.memory_space<vmem>>
    %dma_start3A_28 = tpu.memref_squeeze %dma_start3A_27 : memref<1x128x128xf32, #tpu.memory_space<vmem>> -> memref<128x128xf32, #tpu.memory_space<vmem>>
    tpu.enqueue_dma source(%dma_start3A_28 : memref<128x128xf32, #tpu.memory_space<vmem>>) target(%dma_start3A_24 : memref<128x128xf32, #tpu.memory_space<vmem_shared>>) target_semaphore(%arg13 : memref<!tpu.dma_semaphore, #tpu.memory_space<semaphore_mem>>)
    %mul3A_29 = arith.constant 640 : i32
    %mul3A_30 = arith.muli %arg1, %mul3A_29 : i32
    %add3A_31 = arith.constant 128 : i32
    %add3A_32 = arith.addi %mul3A_30, %add3A_31 : i32
    %dma_start3A_33 = arith.constant 0 : i32
    %dma_start3A_34 = arith.constant 0 : i32
    %dma_start3A_35 = arith.constant 0 : i32
    %dma_start3A_36 = tpu.memref_slice %arg9[%dma_start3A_33, %dma_start3A_34, %dma_start3A_35] : memref<2x128x128xf32, #tpu.memory_space<vmem>> -> memref<1x128x128xf32, #tpu.memory_space<vmem>>
    %dma_start3A_37 = tpu.memref_squeeze %dma_start3A_36 : memref<1x128x128xf32, #tpu.memory_space<vmem>> -> memref<128x128xf32, #tpu.memory_space<vmem>>
    %dma_start3A_38 = arith.constant 0 : i32
    %dma_start3A_39 = tpu.memref_slice %arg6[%add3A_32, %dma_start3A_38] : memref<10240x128xf32, #tpu.memory_space<vmem_shared>> -> memref<128x128xf32, #tpu.memory_space<vmem_shared>>
    %dma_start3A_40 = arith.constant 0 : i32
    %dma_start3A_41 = tpu.memref_slice %arg6[%add3A_32, %dma_start3A_40] : memref<10240x128xf32, #tpu.memory_space<vmem_shared>> -> memref<128x128xf32, #tpu.memory_space<vmem_shared>>
    %dma_start3A_42 = arith.constant 0 : i32
    %dma_start3A_43 = arith.constant 0 : i32
    %dma_start3A_44 = tpu.memref_slice %arg9[%dma_start3A_33, %dma_start3A_42, %dma_start3A_43] : memref<2x128x128xf32, #tpu.memory_space<vmem>> -> memref<1x128x128xf32, #tpu.memory_space<vmem>>
    %dma_start3A_45 = tpu.memref_squeeze %dma_start3A_44 : memref<1x128x128xf32, #tpu.memory_space<vmem>> -> memref<128x128xf32, #tpu.memory_space<vmem>>
    tpu.enqueue_dma source(%dma_start3A_45 : memref<128x128xf32, #tpu.memory_space<vmem>>) target(%dma_start3A_41 : memref<128x128xf32, #tpu.memory_space<vmem_shared>>) target_semaphore(%arg13 : memref<!tpu.dma_semaphore, #tpu.memory_space<semaphore_mem>>)
    %mul3A_46 = arith.constant 640 : i32
    %mul3A_47 = arith.muli %arg1, %mul3A_46 : i32
    %add3A_48 = arith.constant 256 : i32
    %add3A_49 = arith.addi %mul3A_47, %add3A_48 : i32
    %dma_start3A_50 = arith.constant 0 : i32
    %dma_start3A_51 = arith.constant 0 : i32
    %dma_start3A_52 = arith.constant 0 : i32
    %dma_start3A_53 = tpu.memref_slice %arg9[%dma_start3A_50, %dma_start3A_51, %dma_start3A_52] : memref<2x128x128xf32, #tpu.memory_space<vmem>> -> memref<1x128x128xf32, #tpu.memory_space<vmem>>
    %dma_start3A_54 = tpu.memref_squeeze %dma_start3A_53 : memref<1x128x128xf32, #tpu.memory_space<vmem>> -> memref<128x128xf32, #tpu.memory_space<vmem>>
    %dma_start3A_55 = arith.constant 0 : i32
    %dma_start3A_56 = tpu.memref_slice %arg6[%add3A_49, %dma_start3A_55] : memref<10240x128xf32, #tpu.memory_space<vmem_shared>> -> memref<128x128xf32, #tpu.memory_space<vmem_shared>>
    %dma_start3A_57 = arith.constant 0 : i32
    %dma_start3A_58 = tpu.memref_slice %arg6[%add3A_49, %dma_start3A_57] : memref<10240x128xf32, #tpu.memory_space<vmem_shared>> -> memref<128x128xf32, #tpu.memory_space<vmem_shared>>
    %dma_start3A_59 = arith.constant 0 : i32
    %dma_start3A_60 = arith.constant 0 : i32
    %dma_start3A_61 = tpu.memref_slice %arg9[%dma_start3A_50, %dma_start3A_59, %dma_start3A_60] : memref<2x128x128xf32, #tpu.memory_space<vmem>> -> memref<1x128x128xf32, #tpu.memory_space<vmem>>
    %dma_start3A_62 = tpu.memref_squeeze %dma_start3A_61 : memref<1x128x128xf32, #tpu.memory_space<vmem>> -> memref<128x128xf32, #tpu.memory_space<vmem>>
    tpu.enqueue_dma source(%dma_start3A_62 : memref<128x128xf32, #tpu.memory_space<vmem>>) target(%dma_start3A_58 : memref<128x128xf32, #tpu.memory_space<vmem_shared>>) target_semaphore(%arg13 : memref<!tpu.dma_semaphore, #tpu.memory_space<semaphore_mem>>)
    %mul3A_63 = arith.constant 640 : i32
    %mul3A_64 = arith.muli %arg1, %mul3A_63 : i32
    %add3A_65 = arith.constant 384 : i32
    %add3A_66 = arith.addi %mul3A_64, %add3A_65 : i32
    %dma_start3A_67 = arith.constant 0 : i32
    %dma_start3A_68 = arith.constant 0 : i32
    %dma_start3A_69 = arith.constant 0 : i32
    %dma_start3A_70 = tpu.memref_slice %arg9[%dma_start3A_67, %dma_start3A_68, %dma_start3A_69] : memref<2x128x128xf32, #tpu.memory_space<vmem>> -> memref<1x128x128xf32, #tpu.memory_space<vmem>>
    %dma_start3A_71 = tpu.memref_squeeze %dma_start3A_70 : memref<1x128x128xf32, #tpu.memory_space<vmem>> -> memref<128x128xf32, #tpu.memory_space<vmem>>
    %dma_start3A_72 = arith.constant 0 : i32
    %dma_start3A_73 = tpu.memref_slice %arg6[%add3A_66, %dma_start3A_72] : memref<10240x128xf32, #tpu.memory_space<vmem_shared>> -> memref<128x128xf32, #tpu.memory_space<vmem_shared>>
    %dma_start3A_74 = arith.constant 0 : i32
    %dma_start3A_75 = tpu.memref_slice %arg6[%add3A_66, %dma_start3A_74] : memref<10240x128xf32, #tpu.memory_space<vmem_shared>> -> memref<128x128xf32, #tpu.memory_space<vmem_shared>>
    %dma_start3A_76 = arith.constant 0 : i32
    %dma_start3A_77 = arith.constant 0 : i32
    %dma_start3A_78 = tpu.memref_slice %arg9[%dma_start3A_67, %dma_start3A_76, %dma_start3A_77] : memref<2x128x128xf32, #tpu.memory_space<vmem>> -> memref<1x128x128xf32, #tpu.memory_space<vmem>>
    %dma_start3A_79 = tpu.memref_squeeze %dma_start3A_78 : memref<1x128x128xf32, #tpu.memory_space<vmem>> -> memref<128x128xf32, #tpu.memory_space<vmem>>
    tpu.enqueue_dma source(%dma_start3A_79 : memref<128x128xf32, #tpu.memory_space<vmem>>) target(%dma_start3A_75 : memref<128x128xf32, #tpu.memory_space<vmem_shared>>) target_semaphore(%arg13 : memref<!tpu.dma_semaphore, #tpu.memory_space<semaphore_mem>>)
    %mul3A_80 = arith.constant 640 : i32
    %mul3A_81 = arith.muli %arg1, %mul3A_80 : i32
    %add3A_82 = arith.constant 512 : i32
    %add3A_83 = arith.addi %mul3A_81, %add3A_82 : i32
    %dma_start3A_84 = arith.constant 0 : i32
    %dma_start3A_85 = arith.constant 0 : i32
    %dma_start3A_86 = arith.constant 0 : i32
    %dma_start3A_87 = tpu.memref_slice %arg9[%dma_start3A_84, %dma_start3A_85, %dma_start3A_86] : memref<2x128x128xf32, #tpu.memory_space<vmem>> -> memref<1x128x128xf32, #tpu.memory_space<vmem>>
    %dma_start3A_88 = tpu.memref_squeeze %dma_start3A_87 : memref<1x128x128xf32, #tpu.memory_space<vmem>> -> memref<128x128xf32, #tpu.memory_space<vmem>>
    %dma_start3A_89 = arith.constant 0 : i32
    %dma_start3A_90 = tpu.memref_slice %arg6[%add3A_83, %dma_start3A_89] : memref<10240x128xf32, #tpu.memory_space<vmem_shared>> -> memref<128x128xf32, #tpu.memory_space<vmem_shared>>
    %dma_start3A_91 = arith.constant 0 : i32
    %dma_start3A_92 = tpu.memref_slice %arg6[%add3A_83, %dma_start3A_91] : memref<10240x128xf32, #tpu.memory_space<vmem_shared>> -> memref<128x128xf32, #tpu.memory_space<vmem_shared>>
    %dma_start3A_93 = arith.constant 0 : i32
    %dma_start3A_94 = arith.constant 0 : i32
    %dma_start3A_95 = tpu.memref_slice %arg9[%dma_start3A_84, %dma_start3A_93, %dma_start3A_94] : memref<2x128x128xf32, #tpu.memory_space<vmem>> -> memref<1x128x128xf32, #tpu.memory_space<vmem>>
    %dma_start3A_96 = tpu.memref_squeeze %dma_start3A_95 : memref<1x128x128xf32, #tpu.memory_space<vmem>> -> memref<128x128xf32, #tpu.memory_space<vmem>>
    tpu.enqueue_dma source(%dma_start3A_96 : memref<128x128xf32, #tpu.memory_space<vmem>>) target(%dma_start3A_92 : memref<128x128xf32, #tpu.memory_space<vmem_shared>>) target_semaphore(%arg13 : memref<!tpu.dma_semaphore, #tpu.memory_space<semaphore_mem>>)
    %mul3A_97 = arith.constant 640 : i32
    %mul3A_98 = arith.muli %arg1, %mul3A_97 : i32
    %add3A_99 = arith.constant 0 : i32
    %add3A_100 = arith.addi %mul3A_98, %add3A_99 : i32
    %dma_wait3A = arith.constant 0 : i32
    %dma_wait3A_101 = arith.constant 0 : i32
    %dma_wait3A_102 = arith.constant 0 : i32
    %dma_wait3A_103 = tpu.memref_slice %arg9[%dma_wait3A, %dma_wait3A_101, %dma_wait3A_102] : memref<2x128x128xf32, #tpu.memory_space<vmem>> -> memref<1x128x128xf32, #tpu.memory_space<vmem>>
    %dma_wait3A_104 = tpu.memref_squeeze %dma_wait3A_103 : memref<1x128x128xf32, #tpu.memory_space<vmem>> -> memref<128x128xf32, #tpu.memory_space<vmem>>
    %dma_wait3A_105 = arith.constant 0 : i32
    %dma_wait3A_106 = tpu.memref_slice %arg6[%add3A_100, %dma_wait3A_105] : memref<10240x128xf32, #tpu.memory_space<vmem_shared>> -> memref<128x128xf32, #tpu.memory_space<vmem_shared>>
    %dma_wait3A_107 = arith.constant 0 : i32
    %dma_wait3A_108 = tpu.memref_slice %arg6[%add3A_100, %dma_wait3A_107] : memref<10240x128xf32, #tpu.memory_space<vmem_shared>> -> memref<128x128xf32, #tpu.memory_space<vmem_shared>>
    %dma_wait3A_109 = arith.constant 0 : i32
    %dma_wait3A_110 = arith.constant 0 : i32
    %dma_wait3A_111 = tpu.memref_slice %arg9[%dma_wait3A, %dma_wait3A_109, %dma_wait3A_110] : memref<2x128x128xf32, #tpu.memory_space<vmem>> -> memref<1x128x128xf32, #tpu.memory_space<vmem>>
    %dma_wait3A_112 = tpu.memref_squeeze %dma_wait3A_111 : memref<1x128x128xf32, #tpu.memory_space<vmem>> -> memref<128x128xf32, #tpu.memory_space<vmem>>
    tpu.wait_dma2 semaphore(%arg13 : memref<!tpu.dma_semaphore, #tpu.memory_space<semaphore_mem>>) src(%dma_wait3A_112 : memref<128x128xf32, #tpu.memory_space<vmem>>) dst(%dma_wait3A_108 : memref<128x128xf32, #tpu.memory_space<vmem_shared>>)
    %mul3A_113 = arith.constant 640 : i32
    %mul3A_114 = arith.muli %arg1, %mul3A_113 : i32
    %add3A_115 = arith.constant 128 : i32
    %add3A_116 = arith.addi %mul3A_114, %add3A_115 : i32
    %dma_wait3A_117 = arith.constant 0 : i32
    %dma_wait3A_118 = arith.constant 0 : i32
    %dma_wait3A_119 = arith.constant 0 : i32
    %dma_wait3A_120 = tpu.memref_slice %arg9[%dma_wait3A_117, %dma_wait3A_118, %dma_wait3A_119] : memref<2x128x128xf32, #tpu.memory_space<vmem>> -> memref<1x128x128xf32, #tpu.memory_space<vmem>>
    %dma_wait3A_121 = tpu.memref_squeeze %dma_wait3A_120 : memref<1x128x128xf32, #tpu.memory_space<vmem>> -> memref<128x128xf32, #tpu.memory_space<vmem>>
    %dma_wait3A_122 = arith.constant 0 : i32
    %dma_wait3A_123 = tpu.memref_slice %arg6[%add3A_116, %dma_wait3A_122] : memref<10240x128xf32, #tpu.memory_space<vmem_shared>> -> memref<128x128xf32, #tpu.memory_space<vmem_shared>>
    %dma_wait3A_124 = arith.constant 0 : i32
    %dma_wait3A_125 = tpu.memref_slice %arg6[%add3A_116, %dma_wait3A_124] : memref<10240x128xf32, #tpu.memory_space<vmem_shared>> -> memref<128x128xf32, #tpu.memory_space<vmem_shared>>
    %dma_wait3A_126 = arith.constant 0 : i32
    %dma_wait3A_127 = arith.constant 0 : i32
    %dma_wait3A_128 = tpu.memref_slice %arg9[%dma_wait3A_117, %dma_wait3A_126, %dma_wait3A_127] : memref<2x128x128xf32, #tpu.memory_space<vmem>> -> memref<1x128x128xf32, #tpu.memory_space<vmem>>
    %dma_wait3A_129 = tpu.memref_squeeze %dma_wait3A_128 : memref<1x128x128xf32, #tpu.memory_space<vmem>> -> memref<128x128xf32, #tpu.memory_space<vmem>>
    tpu.wait_dma2 semaphore(%arg13 : memref<!tpu.dma_semaphore, #tpu.memory_space<semaphore_mem>>) src(%dma_wait3A_129 : memref<128x128xf32, #tpu.memory_space<vmem>>) dst(%dma_wait3A_125 : memref<128x128xf32, #tpu.memory_space<vmem_shared>>)
    %mul3A_130 = arith.constant 640 : i32
    %mul3A_131 = arith.muli %arg1, %mul3A_130 : i32
    %add3A_132 = arith.constant 256 : i32
    %add3A_133 = arith.addi %mul3A_131, %add3A_132 : i32
    %dma_wait3A_134 = arith.constant 0 : i32
    %dma_wait3A_135 = arith.constant 0 : i32
    %dma_wait3A_136 = arith.constant 0 : i32
    %dma_wait3A_137 = tpu.memref_slice %arg9[%dma_wait3A_134, %dma_wait3A_135, %dma_wait3A_136] : memref<2x128x128xf32, #tpu.memory_space<vmem>> -> memref<1x128x128xf32, #tpu.memory_space<vmem>>
    %dma_wait3A_138 = tpu.memref_squeeze %dma_wait3A_137 : memref<1x128x128xf32, #tpu.memory_space<vmem>> -> memref<128x128xf32, #tpu.memory_space<vmem>>
    %dma_wait3A_139 = arith.constant 0 : i32
    %dma_wait3A_140 = tpu.memref_slice %arg6[%add3A_133, %dma_wait3A_139] : memref<10240x128xf32, #tpu.memory_space<vmem_shared>> -> memref<128x128xf32, #tpu.memory_space<vmem_shared>>
    %dma_wait3A_141 = arith.constant 0 : i32
    %dma_wait3A_142 = tpu.memref_slice %arg6[%add3A_133, %dma_wait3A_141] : memref<10240x128xf32, #tpu.memory_space<vmem_shared>> -> memref<128x128xf32, #tpu.memory_space<vmem_shared>>
    %dma_wait3A_143 = arith.constant 0 : i32
    %dma_wait3A_144 = arith.constant 0 : i32
    %dma_wait3A_145 = tpu.memref_slice %arg9[%dma_wait3A_134, %dma_wait3A_143, %dma_wait3A_144] : memref<2x128x128xf32, #tpu.memory_space<vmem>> -> memref<1x128x128xf32, #tpu.memory_space<vmem>>
    %dma_wait3A_146 = tpu.memref_squeeze %dma_wait3A_145 : memref<1x128x128xf32, #tpu.memory_space<vmem>> -> memref<128x128xf32, #tpu.memory_space<vmem>>
    tpu.wait_dma2 semaphore(%arg13 : memref<!tpu.dma_semaphore, #tpu.memory_space<semaphore_mem>>) src(%dma_wait3A_146 : memref<128x128xf32, #tpu.memory_space<vmem>>) dst(%dma_wait3A_142 : memref<128x128xf32, #tpu.memory_space<vmem_shared>>)
    %mul3A_147 = arith.constant 640 : i32
    %mul3A_148 = arith.muli %arg1, %mul3A_147 : i32
    %add3A_149 = arith.constant 384 : i32
    %add3A_150 = arith.addi %mul3A_148, %add3A_149 : i32
    %dma_wait3A_151 = arith.constant 0 : i32
    %dma_wait3A_152 = arith.constant 0 : i32
    %dma_wait3A_153 = arith.constant 0 : i32
    %dma_wait3A_154 = tpu.memref_slice %arg9[%dma_wait3A_151, %dma_wait3A_152, %dma_wait3A_153] : memref<2x128x128xf32, #tpu.memory_space<vmem>> -> memref<1x128x128xf32, #tpu.memory_space<vmem>>
    %dma_wait3A_155 = tpu.memref_squeeze %dma_wait3A_154 : memref<1x128x128xf32, #tpu.memory_space<vmem>> -> memref<128x128xf32, #tpu.memory_space<vmem>>
    %dma_wait3A_156 = arith.constant 0 : i32
    %dma_wait3A_157 = tpu.memref_slice %arg6[%add3A_150, %dma_wait3A_156] : memref<10240x128xf32, #tpu.memory_space<vmem_shared>> -> memref<128x128xf32, #tpu.memory_space<vmem_shared>>
    %dma_wait3A_158 = arith.constant 0 : i32
    %dma_wait3A_159 = tpu.memref_slice %arg6[%add3A_150, %dma_wait3A_158] : memref<10240x128xf32, #tpu.memory_space<vmem_shared>> -> memref<128x128xf32, #tpu.memory_space<vmem_shared>>
    %dma_wait3A_160 = arith.constant 0 : i32
    %dma_wait3A_161 = arith.constant 0 : i32
    %dma_wait3A_162 = tpu.memref_slice %arg9[%dma_wait3A_151, %dma_wait3A_160, %dma_wait3A_161] : memref<2x128x128xf32, #tpu.memory_space<vmem>> -> memref<1x128x128xf32, #tpu.memory_space<vmem>>
    %dma_wait3A_163 = tpu.memref_squeeze %dma_wait3A_162 : memref<1x128x128xf32, #tpu.memory_space<vmem>> -> memref<128x128xf32, #tpu.memory_space<vmem>>
    tpu.wait_dma2 semaphore(%arg13 : memref<!tpu.dma_semaphore, #tpu.memory_space<semaphore_mem>>) src(%dma_wait3A_163 : memref<128x128xf32, #tpu.memory_space<vmem>>) dst(%dma_wait3A_159 : memref<128x128xf32, #tpu.memory_space<vmem_shared>>)
    %mul3A_164 = arith.constant 640 : i32
    %mul3A_165 = arith.muli %arg1, %mul3A_164 : i32
    %add3A_166 = arith.constant 512 : i32
    %add3A_167 = arith.addi %mul3A_165, %add3A_166 : i32
    %dma_wait3A_168 = arith.constant 0 : i32
    %dma_wait3A_169 = arith.constant 0 : i32
    %dma_wait3A_170 = arith.constant 0 : i32
    %dma_wait3A_171 = tpu.memref_slice %arg9[%dma_wait3A_168, %dma_wait3A_169, %dma_wait3A_170] : memref<2x128x128xf32, #tpu.memory_space<vmem>> -> memref<1x128x128xf32, #tpu.memory_space<vmem>>
    %dma_wait3A_172 = tpu.memref_squeeze %dma_wait3A_171 : memref<1x128x128xf32, #tpu.memory_space<vmem>> -> memref<128x128xf32, #tpu.memory_space<vmem>>
    %dma_wait3A_173 = arith.constant 0 : i32
    %dma_wait3A_174 = tpu.memref_slice %arg6[%add3A_167, %dma_wait3A_173] : memref<10240x128xf32, #tpu.memory_space<vmem_shared>> -> memref<128x128xf32, #tpu.memory_space<vmem_shared>>
    %dma_wait3A_175 = arith.constant 0 : i32
    %dma_wait3A_176 = tpu.memref_slice %arg6[%add3A_167, %dma_wait3A_175] : memref<10240x128xf32, #tpu.memory_space<vmem_shared>> -> memref<128x128xf32, #tpu.memory_space<vmem_shared>>
    %dma_wait3A_177 = arith.constant 0 : i32
    %dma_wait3A_178 = arith.constant 0 : i32
    %dma_wait3A_179 = tpu.memref_slice %arg9[%dma_wait3A_168, %dma_wait3A_177, %dma_wait3A_178] : memref<2x128x128xf32, #tpu.memory_space<vmem>> -> memref<1x128x128xf32, #tpu.memory_space<vmem>>
    %dma_wait3A_180 = tpu.memref_squeeze %dma_wait3A_179 : memref<1x128x128xf32, #tpu.memory_space<vmem>> -> memref<128x128xf32, #tpu.memory_space<vmem>>
    tpu.wait_dma2 semaphore(%arg13 : memref<!tpu.dma_semaphore, #tpu.memory_space<semaphore_mem>>) src(%dma_wait3A_180 : memref<128x128xf32, #tpu.memory_space<vmem>>) dst(%dma_wait3A_176 : memref<128x128xf32, #tpu.memory_space<vmem_shared>>)
    %barrier3A = arith.constant 0 : index
    tpu.barrier barrier_id(%barrier3A)
    %broadcast_in_dim3A_181 = arith.constant 1.000000e+00 : f32
    %broadcast_in_dim3A_182 = vector.broadcast %broadcast_in_dim3A_181 : f32 to vector<16xf32>
    %add3A_183 = arith.constant 0 : i32
    %add3A_184 = arith.addi %add3A, %add3A_183 : i32
    %mul3A_185 = arith.constant 128 : i32
    %mul3A_186 = arith.muli %add3A_184, %mul3A_185 : i32
    %dma_start3A_187 = arith.constant 0 : i32
    %dma_start3A_188 = arith.constant 0 : i32
    %dma_start3A_189 = arith.constant 0 : i32
    %dma_start3A_190 = tpu.memref_slice %arg7[%dma_start3A_188, %dma_start3A_189] : memref<2x128xi32, #tpu.memory_space<vmem>> -> memref<1x128xi32, #tpu.memory_space<vmem>>
    %dma_start3A_191 = tpu.memref_squeeze %dma_start3A_190 : memref<1x128xi32, #tpu.memory_space<vmem>> -> memref<128xi32, #tpu.memory_space<vmem>>
    %dma_start3A_192 = tpu.memref_slice %arg3[%dma_start3A_187, %mul3A_186] : memref<2x320000xi32, #tpu.memory_space<hbm>> -> memref<1x128xi32, #tpu.memory_space<hbm>>
    %dma_start3A_193 = tpu.memref_squeeze %dma_start3A_192 : memref<1x128xi32, #tpu.memory_space<hbm>> -> memref<128xi32, #tpu.memory_space<hbm>>
    %dma_start3A_194 = arith.constant 0 : i32
    %dma_start3A_195 = tpu.memref_slice %arg7[%dma_start3A_188, %dma_start3A_194] : memref<2x128xi32, #tpu.memory_space<vmem>> -> memref<1x128xi32, #tpu.memory_space<vmem>>
    %dma_start3A_196 = tpu.memref_squeeze %dma_start3A_195 : memref<1x128xi32, #tpu.memory_space<vmem>> -> memref<128xi32, #tpu.memory_space<vmem>>
    %dma_start3A_197 = tpu.memref_slice %arg3[%dma_start3A_187, %mul3A_186] : memref<2x320000xi32, #tpu.memory_space<hbm>> -> memref<1x128xi32, #tpu.memory_space<hbm>>
    %dma_start3A_198 = tpu.memref_squeeze %dma_start3A_197 : memref<1x128xi32, #tpu.memory_space<hbm>> -> memref<128xi32, #tpu.memory_space<hbm>>
    tpu.enqueue_dma source(%dma_start3A_198 : memref<128xi32, #tpu.memory_space<hbm>>) target(%dma_start3A_196 : memref<128xi32, #tpu.memory_space<vmem>>) target_semaphore(%arg11 : memref<!tpu.dma_semaphore, #tpu.memory_space<semaphore_mem>>)
    %dma_start3A_199 = arith.constant 1 : i32
    %dma_start3A_200 = arith.constant 0 : i32
    %dma_start3A_201 = arith.constant 0 : i32
    %dma_start3A_202 = tpu.memref_slice %arg8[%dma_start3A_200, %dma_start3A_201] : memref<2x128xi32, #tpu.memory_space<vmem>> -> memref<1x128xi32, #tpu.memory_space<vmem>>
    %dma_start3A_203 = tpu.memref_squeeze %dma_start3A_202 : memref<1x128xi32, #tpu.memory_space<vmem>> -> memref<128xi32, #tpu.memory_space<vmem>>
    %dma_start3A_204 = tpu.memref_slice %arg3[%dma_start3A_199, %mul3A_186] : memref<2x320000xi32, #tpu.memory_space<hbm>> -> memref<1x128xi32, #tpu.memory_space<hbm>>
    %dma_start3A_205 = tpu.memref_squeeze %dma_start3A_204 : memref<1x128xi32, #tpu.memory_space<hbm>> -> memref<128xi32, #tpu.memory_space<hbm>>
    %dma_start3A_206 = arith.constant 0 : i32
    %dma_start3A_207 = tpu.memref_slice %arg8[%dma_start3A_200, %dma_start3A_206] : memref<2x128xi32, #tpu.memory_space<vmem>> -> memref<1x128xi32, #tpu.memory_space<vmem>>
    %dma_start3A_208 = tpu.memref_squeeze %dma_start3A_207 : memref<1x128xi32, #tpu.memory_space<vmem>> -> memref<128xi32, #tpu.memory_space<vmem>>
    %dma_start3A_209 = tpu.memref_slice %arg3[%dma_start3A_199, %mul3A_186] : memref<2x320000xi32, #tpu.memory_space<hbm>> -> memref<1x128xi32, #tpu.memory_space<hbm>>
    %dma_start3A_210 = tpu.memref_squeeze %dma_start3A_209 : memref<1x128xi32, #tpu.memory_space<hbm>> -> memref<128xi32, #tpu.memory_space<hbm>>
    tpu.enqueue_dma source(%dma_start3A_210 : memref<128xi32, #tpu.memory_space<hbm>>) target(%dma_start3A_208 : memref<128xi32, #tpu.memory_space<vmem>>) target_semaphore(%arg11 : memref<!tpu.dma_semaphore, #tpu.memory_space<semaphore_mem>>)
    %dma_wait3A_211 = arith.constant 0 : i32
    %dma_wait3A_212 = arith.constant 0 : i32
    %dma_wait3A_213 = arith.constant 0 : i32
    %dma_wait3A_214 = tpu.memref_slice %arg7[%dma_wait3A_212, %dma_wait3A_213] : memref<2x128xi32, #tpu.memory_space<vmem>> -> memref<1x128xi32, #tpu.memory_space<vmem>>
    %dma_wait3A_215 = tpu.memref_squeeze %dma_wait3A_214 : memref<1x128xi32, #tpu.memory_space<vmem>> -> memref<128xi32, #tpu.memory_space<vmem>>
    %dma_wait3A_216 = arith.constant 0 : i32
    %dma_wait3A_217 = tpu.memref_slice %arg3[%dma_wait3A_211, %dma_wait3A_216] : memref<2x320000xi32, #tpu.memory_space<hbm>> -> memref<1x128xi32, #tpu.memory_space<hbm>>
    %dma_wait3A_218 = tpu.memref_squeeze %dma_wait3A_217 : memref<1x128xi32, #tpu.memory_space<hbm>> -> memref<128xi32, #tpu.memory_space<hbm>>
    %dma_wait3A_219 = arith.constant 0 : i32
    %dma_wait3A_220 = tpu.memref_slice %arg7[%dma_wait3A_212, %dma_wait3A_219] : memref<2x128xi32, #tpu.memory_space<vmem>> -> memref<1x128xi32, #tpu.memory_space<vmem>>
    %dma_wait3A_221 = tpu.memref_squeeze %dma_wait3A_220 : memref<1x128xi32, #tpu.memory_space<vmem>> -> memref<128xi32, #tpu.memory_space<vmem>>
    %dma_wait3A_222 = arith.constant 0 : i32
    %dma_wait3A_223 = tpu.memref_slice %arg3[%dma_wait3A_211, %dma_wait3A_222] : memref<2x320000xi32, #tpu.memory_space<hbm>> -> memref<1x128xi32, #tpu.memory_space<hbm>>
    %dma_wait3A_224 = tpu.memref_squeeze %dma_wait3A_223 : memref<1x128xi32, #tpu.memory_space<hbm>> -> memref<128xi32, #tpu.memory_space<hbm>>
    tpu.wait_dma2 semaphore(%arg11 : memref<!tpu.dma_semaphore, #tpu.memory_space<semaphore_mem>>) src(%dma_wait3A_224 : memref<128xi32, #tpu.memory_space<hbm>>) dst(%dma_wait3A_221 : memref<128xi32, #tpu.memory_space<vmem>>)
    %dma_wait3A_225 = arith.constant 1 : i32
    %dma_wait3A_226 = arith.constant 0 : i32
    %dma_wait3A_227 = arith.constant 0 : i32
    %dma_wait3A_228 = tpu.memref_slice %arg8[%dma_wait3A_226, %dma_wait3A_227] : memref<2x128xi32, #tpu.memory_space<vmem>> -> memref<1x128xi32, #tpu.memory_space<vmem>>
    %dma_wait3A_229 = tpu.memref_squeeze %dma_wait3A_228 : memref<1x128xi32, #tpu.memory_space<vmem>> -> memref<128xi32, #tpu.memory_space<vmem>>
    %dma_wait3A_230 = arith.constant 0 : i32
    %dma_wait3A_231 = tpu.memref_slice %arg3[%dma_wait3A_225, %dma_wait3A_230] : memref<2x320000xi32, #tpu.memory_space<hbm>> -> memref<1x128xi32, #tpu.memory_space<hbm>>
    %dma_wait3A_232 = tpu.memref_squeeze %dma_wait3A_231 : memref<1x128xi32, #tpu.memory_space<hbm>> -> memref<128xi32, #tpu.memory_space<hbm>>
    %dma_wait3A_233 = arith.constant 0 : i32
    %dma_wait3A_234 = tpu.memref_slice %arg8[%dma_wait3A_226, %dma_wait3A_233] : memref<2x128xi32, #tpu.memory_space<vmem>> -> memref<1x128xi32, #tpu.memory_space<vmem>>
    %dma_wait3A_235 = tpu.memref_squeeze %dma_wait3A_234 : memref<1x128xi32, #tpu.memory_space<vmem>> -> memref<128xi32, #tpu.memory_space<vmem>>
    %dma_wait3A_236 = arith.constant 0 : i32
    %dma_wait3A_237 = tpu.memref_slice %arg3[%dma_wait3A_225, %dma_wait3A_236] : memref<2x320000xi32, #tpu.memory_space<hbm>> -> memref<1x128xi32, #tpu.memory_space<hbm>>
    %dma_wait3A_238 = tpu.memref_squeeze %dma_wait3A_237 : memref<1x128xi32, #tpu.memory_space<hbm>> -> memref<128xi32, #tpu.memory_space<hbm>>
    tpu.wait_dma2 semaphore(%arg11 : memref<!tpu.dma_semaphore, #tpu.memory_space<semaphore_mem>>) src(%dma_wait3A_238 : memref<128xi32, #tpu.memory_space<hbm>>) dst(%dma_wait3A_235 : memref<128xi32, #tpu.memory_space<vmem>>)
    %dma_start3A_239 = arith.constant 0 : i32
    %dma_start3A_240 = arith.constant 0 : i32
    %dma_start3A_241 = arith.constant 0 : i32
    %dma_start3A_242 = arith.constant 0 : i32
    %dma_start3A_243 = tpu.memref_slice %arg9[%dma_start3A_240, %dma_start3A_241, %dma_start3A_242] : memref<2x128x128xf32, #tpu.memory_space<vmem>> -> memref<1x128x128xf32, #tpu.memory_space<vmem>>
    %dma_start3A_244 = tpu.memref_squeeze %dma_start3A_243 : memref<1x128x128xf32, #tpu.memory_space<vmem>> -> memref<128x128xf32, #tpu.memory_space<vmem>>
    %dma_start3A_245 = arith.constant 0 : i32
    %dma_start3A_246 = tpu.memref_slice %arg7[%dma_start3A_239, %dma_start3A_245] : memref<2x128xi32, #tpu.memory_space<vmem>> -> memref<1x128xi32, #tpu.memory_space<vmem>>
    %dma_start3A_247 = tpu.memref_squeeze %dma_start3A_246 : memref<1x128xi32, #tpu.memory_space<vmem>> -> memref<128xi32, #tpu.memory_space<vmem>>
    %dma_start3A_248 = arith.constant 0 : i32
    %dma_start3A_249 = arith.constant 0 : i32
    %dma_start3A_250 = tpu.memref_slice %arg2[%dma_start3A_248, %dma_start3A_249] : memref<10000x128xf32, #tpu.memory_space<hbm>> -> memref<10000x128xf32, #tpu.memory_space<hbm>>
    tpu.enqueue_indirect_dma source(%dma_start3A_250 : memref<10000x128xf32, #tpu.memory_space<hbm>>) target(%dma_start3A_244 : memref<128x128xf32, #tpu.memory_space<vmem>>) offsets(%dma_start3A_247 : memref<128xi32, #tpu.memory_space<vmem>>) semaphore(%arg13 : memref<!tpu.dma_semaphore, #tpu.memory_space<semaphore_mem>>)
    %add3A_251 = arith.constant 32 : i32
    %add3A_252 = arith.addi %add3A, %add3A_251 : i32
    %lt3A = arith.constant 2500 : i32
    %lt3A_253 = arith.cmpi slt, %add3A_252, %lt3A : i32
    %convert_element_type3A = arith.extui %lt3A_253 : i1 to i32
    %cond3A = arith.constant 0 : i32
    %cond3A_254 = arith.cmpi ne, %convert_element_type3A, %cond3A : i32
    scf.if %cond3A_254 {
      %add3A_468 = arith.constant 32 : i32
      %add3A_469 = arith.addi %add3A, %add3A_468 : i32
      %mul3A_470 = arith.constant 128 : i32
      %mul3A_471 = arith.muli %add3A_469, %mul3A_470 : i32
      %dma_start3A_472 = arith.constant 0 : i32
      %dma_start3A_473 = arith.constant 1 : i32
      %dma_start3A_474 = arith.constant 0 : i32
      %dma_start3A_475 = tpu.memref_slice %arg7[%dma_start3A_473, %dma_start3A_474] : memref<2x128xi32, #tpu.memory_space<vmem>> -> memref<1x128xi32, #tpu.memory_space<vmem>>
      %dma_start3A_476 = tpu.memref_squeeze %dma_start3A_475 : memref<1x128xi32, #tpu.memory_space<vmem>> -> memref<128xi32, #tpu.memory_space<vmem>>
      %dma_start3A_477 = tpu.memref_slice %arg3[%dma_start3A_472, %mul3A_471] : memref<2x320000xi32, #tpu.memory_space<hbm>> -> memref<1x128xi32, #tpu.memory_space<hbm>>
      %dma_start3A_478 = tpu.memref_squeeze %dma_start3A_477 : memref<1x128xi32, #tpu.memory_space<hbm>> -> memref<128xi32, #tpu.memory_space<hbm>>
      %dma_start3A_479 = arith.constant 0 : i32
      %dma_start3A_480 = tpu.memref_slice %arg7[%dma_start3A_473, %dma_start3A_479] : memref<2x128xi32, #tpu.memory_space<vmem>> -> memref<1x128xi32, #tpu.memory_space<vmem>>
      %dma_start3A_481 = tpu.memref_squeeze %dma_start3A_480 : memref<1x128xi32, #tpu.memory_space<vmem>> -> memref<128xi32, #tpu.memory_space<vmem>>
      %dma_start3A_482 = tpu.memref_slice %arg3[%dma_start3A_472, %mul3A_471] : memref<2x320000xi32, #tpu.memory_space<hbm>> -> memref<1x128xi32, #tpu.memory_space<hbm>>
      %dma_start3A_483 = tpu.memref_squeeze %dma_start3A_482 : memref<1x128xi32, #tpu.memory_space<hbm>> -> memref<128xi32, #tpu.memory_space<hbm>>
      tpu.enqueue_dma source(%dma_start3A_483 : memref<128xi32, #tpu.memory_space<hbm>>) target(%dma_start3A_481 : memref<128xi32, #tpu.memory_space<vmem>>) target_semaphore(%arg12 : memref<!tpu.dma_semaphore, #tpu.memory_space<semaphore_mem>>)
      %dma_start3A_484 = arith.constant 1 : i32
      %dma_start3A_485 = arith.constant 1 : i32
      %dma_start3A_486 = arith.constant 0 : i32
      %dma_start3A_487 = tpu.memref_slice %arg8[%dma_start3A_485, %dma_start3A_486] : memref<2x128xi32, #tpu.memory_space<vmem>> -> memref<1x128xi32, #tpu.memory_space<vmem>>
      %dma_start3A_488 = tpu.memref_squeeze %dma_start3A_487 : memref<1x128xi32, #tpu.memory_space<vmem>> -> memref<128xi32, #tpu.memory_space<vmem>>
      %dma_start3A_489 = tpu.memref_slice %arg3[%dma_start3A_484, %mul3A_471] : memref<2x320000xi32, #tpu.memory_space<hbm>> -> memref<1x128xi32, #tpu.memory_space<hbm>>
      %dma_start3A_490 = tpu.memref_squeeze %dma_start3A_489 : memref<1x128xi32, #tpu.memory_space<hbm>> -> memref<128xi32, #tpu.memory_space<hbm>>
      %dma_start3A_491 = arith.constant 0 : i32
      %dma_start3A_492 = tpu.memref_slice %arg8[%dma_start3A_485, %dma_start3A_491] : memref<2x128xi32, #tpu.memory_space<vmem>> -> memref<1x128xi32, #tpu.memory_space<vmem>>
      %dma_start3A_493 = tpu.memref_squeeze %dma_start3A_492 : memref<1x128xi32, #tpu.memory_space<vmem>> -> memref<128xi32, #tpu.memory_space<vmem>>
      %dma_start3A_494 = tpu.memref_slice %arg3[%dma_start3A_484, %mul3A_471] : memref<2x320000xi32, #tpu.memory_space<hbm>> -> memref<1x128xi32, #tpu.memory_space<hbm>>
      %dma_start3A_495 = tpu.memref_squeeze %dma_start3A_494 : memref<1x128xi32, #tpu.memory_space<hbm>> -> memref<128xi32, #tpu.memory_space<hbm>>
      tpu.enqueue_dma source(%dma_start3A_495 : memref<128xi32, #tpu.memory_space<hbm>>) target(%dma_start3A_493 : memref<128xi32, #tpu.memory_space<vmem>>) target_semaphore(%arg12 : memref<!tpu.dma_semaphore, #tpu.memory_space<semaphore_mem>>)
    } else {
    }
    %scan3A_255 = arith.constant 0 : i32
    %scan3A_256 = arith.constant 0 : i32
    %scan3A_257 = arith.constant 40 : i32
    %scan3A_258 = arith.addi %scan3A_256, %scan3A_257 : i32
    %scan3A_259 = arith.constant 1 : i32
    scf.for %scan3A_468 = %scan3A_256 to %scan3A_258 step %scan3A_259  : i32 {
      %mul3A_469 = arith.constant 2 : i32
      %mul3A_470 = arith.muli %mul3A_469, %scan3A_468 : i32
      %mul3A_471 = arith.constant 32 : i32
      %mul3A_472 = arith.muli %mul3A_470, %mul3A_471 : i32
      %add3A_473 = arith.addi %add3A, %mul3A_472 : i32
      %lt3A_474 = arith.constant 2500 : i32
      %lt3A_475 = arith.cmpi slt, %add3A_473, %lt3A_474 : i32
      %convert_element_type3A_476 = arith.extui %lt3A_475 : i1 to i32
      %cond3A_477 = arith.constant 0 : i32
      %cond3A_478 = arith.cmpi ne, %convert_element_type3A_476, %cond3A_477 : i32
      scf.if %cond3A_478 {
        %add3A_491 = arith.constant 32 : i32
        %add3A_492 = arith.addi %add3A_473, %add3A_491 : i32
        %lt3A_493 = arith.constant 2500 : i32
        %lt3A_494 = arith.cmpi slt, %add3A_492, %lt3A_493 : i32
        %convert_element_type3A_495 = arith.extui %lt3A_494 : i1 to i32
        %cond3A_496 = arith.constant 0 : i32
        %cond3A_497 = arith.cmpi ne, %convert_element_type3A_495, %cond3A_496 : i32
        scf.if %cond3A_497 {
          %dma_wait3A_550 = arith.constant 0 : i32
          %dma_wait3A_551 = arith.constant 1 : i32
          %dma_wait3A_552 = arith.constant 0 : i32
          %dma_wait3A_553 = tpu.memref_slice %arg7[%dma_wait3A_551, %dma_wait3A_552] : memref<2x128xi32, #tpu.memory_space<vmem>> -> memref<1x128xi32, #tpu.memory_space<vmem>>
          %dma_wait3A_554 = tpu.memref_squeeze %dma_wait3A_553 : memref<1x128xi32, #tpu.memory_space<vmem>> -> memref<128xi32, #tpu.memory_space<vmem>>
          %dma_wait3A_555 = arith.constant 0 : i32
          %dma_wait3A_556 = tpu.memref_slice %arg3[%dma_wait3A_550, %dma_wait3A_555] : memref<2x320000xi32, #tpu.memory_space<hbm>> -> memref<1x128xi32, #tpu.memory_space<hbm>>
          %dma_wait3A_557 = tpu.memref_squeeze %dma_wait3A_556 : memref<1x128xi32, #tpu.memory_space<hbm>> -> memref<128xi32, #tpu.memory_space<hbm>>
          %dma_wait3A_558 = arith.constant 0 : i32
          %dma_wait3A_559 = tpu.memref_slice %arg7[%dma_wait3A_551, %dma_wait3A_558] : memref<2x128xi32, #tpu.memory_space<vmem>> -> memref<1x128xi32, #tpu.memory_space<vmem>>
          %dma_wait3A_560 = tpu.memref_squeeze %dma_wait3A_559 : memref<1x128xi32, #tpu.memory_space<vmem>> -> memref<128xi32, #tpu.memory_space<vmem>>
          %dma_wait3A_561 = arith.constant 0 : i32
          %dma_wait3A_562 = tpu.memref_slice %arg3[%dma_wait3A_550, %dma_wait3A_561] : memref<2x320000xi32, #tpu.memory_space<hbm>> -> memref<1x128xi32, #tpu.memory_space<hbm>>
          %dma_wait3A_563 = tpu.memref_squeeze %dma_wait3A_562 : memref<1x128xi32, #tpu.memory_space<hbm>> -> memref<128xi32, #tpu.memory_space<hbm>>
          tpu.wait_dma2 semaphore(%arg12 : memref<!tpu.dma_semaphore, #tpu.memory_space<semaphore_mem>>) src(%dma_wait3A_563 : memref<128xi32, #tpu.memory_space<hbm>>) dst(%dma_wait3A_560 : memref<128xi32, #tpu.memory_space<vmem>>)
          %dma_wait3A_564 = arith.constant 1 : i32
          %dma_wait3A_565 = arith.constant 1 : i32
          %dma_wait3A_566 = arith.constant 0 : i32
          %dma_wait3A_567 = tpu.memref_slice %arg8[%dma_wait3A_565, %dma_wait3A_566] : memref<2x128xi32, #tpu.memory_space<vmem>> -> memref<1x128xi32, #tpu.memory_space<vmem>>
          %dma_wait3A_568 = tpu.memref_squeeze %dma_wait3A_567 : memref<1x128xi32, #tpu.memory_space<vmem>> -> memref<128xi32, #tpu.memory_space<vmem>>
          %dma_wait3A_569 = arith.constant 0 : i32
          %dma_wait3A_570 = tpu.memref_slice %arg3[%dma_wait3A_564, %dma_wait3A_569] : memref<2x320000xi32, #tpu.memory_space<hbm>> -> memref<1x128xi32, #tpu.memory_space<hbm>>
          %dma_wait3A_571 = tpu.memref_squeeze %dma_wait3A_570 : memref<1x128xi32, #tpu.memory_space<hbm>> -> memref<128xi32, #tpu.memory_space<hbm>>
          %dma_wait3A_572 = arith.constant 0 : i32
          %dma_wait3A_573 = tpu.memref_slice %arg8[%dma_wait3A_565, %dma_wait3A_572] : memref<2x128xi32, #tpu.memory_space<vmem>> -> memref<1x128xi32, #tpu.memory_space<vmem>>
          %dma_wait3A_574 = tpu.memref_squeeze %dma_wait3A_573 : memref<1x128xi32, #tpu.memory_space<vmem>> -> memref<128xi32, #tpu.memory_space<vmem>>
          %dma_wait3A_575 = arith.constant 0 : i32
          %dma_wait3A_576 = tpu.memref_slice %arg3[%dma_wait3A_564, %dma_wait3A_575] : memref<2x320000xi32, #tpu.memory_space<hbm>> -> memref<1x128xi32, #tpu.memory_space<hbm>>
          %dma_wait3A_577 = tpu.memref_squeeze %dma_wait3A_576 : memref<1x128xi32, #tpu.memory_space<hbm>> -> memref<128xi32, #tpu.memory_space<hbm>>
          tpu.wait_dma2 semaphore(%arg12 : memref<!tpu.dma_semaphore, #tpu.memory_space<semaphore_mem>>) src(%dma_wait3A_577 : memref<128xi32, #tpu.memory_space<hbm>>) dst(%dma_wait3A_574 : memref<128xi32, #tpu.memory_space<vmem>>)
          %dma_start3A_578 = arith.constant 1 : i32
          %dma_start3A_579 = arith.constant 1 : i32
          %dma_start3A_580 = arith.constant 0 : i32
          %dma_start3A_581 = arith.constant 0 : i32
          %dma_start3A_582 = tpu.memref_slice %arg9[%dma_start3A_579, %dma_start3A_580, %dma_start3A_581] : memref<2x128x128xf32, #tpu.memory_space<vmem>> -> memref<1x128x128xf32, #tpu.memory_space<vmem>>
          %dma_start3A_583 = tpu.memref_squeeze %dma_start3A_582 : memref<1x128x128xf32, #tpu.memory_space<vmem>> -> memref<128x128xf32, #tpu.memory_space<vmem>>
          %dma_start3A_584 = arith.constant 0 : i32
          %dma_start3A_585 = tpu.memref_slice %arg7[%dma_start3A_578, %dma_start3A_584] : memref<2x128xi32, #tpu.memory_space<vmem>> -> memref<1x128xi32, #tpu.memory_space<vmem>>
          %dma_start3A_586 = tpu.memref_squeeze %dma_start3A_585 : memref<1x128xi32, #tpu.memory_space<vmem>> -> memref<128xi32, #tpu.memory_space<vmem>>
          %dma_start3A_587 = arith.constant 0 : i32
          %dma_start3A_588 = arith.constant 0 : i32
          %dma_start3A_589 = tpu.memref_slice %arg2[%dma_start3A_587, %dma_start3A_588] : memref<10000x128xf32, #tpu.memory_space<hbm>> -> memref<10000x128xf32, #tpu.memory_space<hbm>>
          tpu.enqueue_indirect_dma source(%dma_start3A_589 : memref<10000x128xf32, #tpu.memory_space<hbm>>) target(%dma_start3A_583 : memref<128x128xf32, #tpu.memory_space<vmem>>) offsets(%dma_start3A_586 : memref<128xi32, #tpu.memory_space<vmem>>) semaphore(%arg14 : memref<!tpu.dma_semaphore, #tpu.memory_space<semaphore_mem>>)
        } else {
        }
        %get3A = arith.constant 0 : i32
        %get3A_498 = arith.index_cast %get3A : i32 to index
        %get3A_499 = arith.constant 0 : index
        %get3A_500 = tpu.vector_load %arg8[%get3A_498, %get3A_499] {strides = array<i32>} : memref<2x128xi32, #tpu.memory_space<vmem>>, vector<16xi32>,
        tpu.vector_store_idx %arg10[%get3A_500], %broadcast_in_dim3A_182 {add = true} : memref<10240xf32, #tpu.memory_space<vmem>>[vector<16xi32>], vector<16xf32>,
        %get3A_501 = arith.constant 0 : i32
        %get3A_502 = arith.index_cast %get3A_501 : i32 to index
        %get3A_503 = arith.constant 16 : index
        %get3A_504 = tpu.vector_load %arg8[%get3A_502, %get3A_503] {strides = array<i32>} : memref<2x128xi32, #tpu.memory_space<vmem>>, vector<16xi32>,
        tpu.vector_store_idx %arg10[%get3A_504], %broadcast_in_dim3A_182 {add = true} : memref<10240xf32, #tpu.memory_space<vmem>>[vector<16xi32>], vector<16xf32>,
        %get3A_505 = arith.constant 0 : i32
        %get3A_506 = arith.index_cast %get3A_505 : i32 to index
        %get3A_507 = arith.constant 32 : index
        %get3A_508 = tpu.vector_load %arg8[%get3A_506, %get3A_507] {strides = array<i32>} : memref<2x128xi32, #tpu.memory_space<vmem>>, vector<16xi32>,
        tpu.vector_store_idx %arg10[%get3A_508], %broadcast_in_dim3A_182 {add = true} : memref<10240xf32, #tpu.memory_space<vmem>>[vector<16xi32>], vector<16xf32>,
        %get3A_509 = arith.constant 0 : i32
        %get3A_510 = arith.index_cast %get3A_509 : i32 to index
        %get3A_511 = arith.constant 48 : index
        %get3A_512 = tpu.vector_load %arg8[%get3A_510, %get3A_511] {strides = array<i32>} : memref<2x128xi32, #tpu.memory_space<vmem>>, vector<16xi32>,
        tpu.vector_store_idx %arg10[%get3A_512], %broadcast_in_dim3A_182 {add = true} : memref<10240xf32, #tpu.memory_space<vmem>>[vector<16xi32>], vector<16xf32>,
        %get3A_513 = arith.constant 0 : i32
        %get3A_514 = arith.index_cast %get3A_513 : i32 to index
        %get3A_515 = arith.constant 64 : index
        %get3A_516 = tpu.vector_load %arg8[%get3A_514, %get3A_515] {strides = array<i32>} : memref<2x128xi32, #tpu.memory_space<vmem>>, vector<16xi32>,
        tpu.vector_store_idx %arg10[%get3A_516], %broadcast_in_dim3A_182 {add = true} : memref<10240xf32, #tpu.memory_space<vmem>>[vector<16xi32>], vector<16xf32>,
        %get3A_517 = arith.constant 0 : i32
        %get3A_518 = arith.index_cast %get3A_517 : i32 to index
        %get3A_519 = arith.constant 80 : index
        %get3A_520 = tpu.vector_load %arg8[%get3A_518, %get3A_519] {strides = array<i32>} : memref<2x128xi32, #tpu.memory_space<vmem>>, vector<16xi32>,
        tpu.vector_store_idx %arg10[%get3A_520], %broadcast_in_dim3A_182 {add = true} : memref<10240xf32, #tpu.memory_space<vmem>>[vector<16xi32>], vector<16xf32>,
        %get3A_521 = arith.constant 0 : i32
        %get3A_522 = arith.index_cast %get3A_521 : i32 to index
        %get3A_523 = arith.constant 96 : index
        %get3A_524 = tpu.vector_load %arg8[%get3A_522, %get3A_523] {strides = array<i32>} : memref<2x128xi32, #tpu.memory_space<vmem>>, vector<16xi32>,
        tpu.vector_store_idx %arg10[%get3A_524], %broadcast_in_dim3A_182 {add = true} : memref<10240xf32, #tpu.memory_space<vmem>>[vector<16xi32>], vector<16xf32>,
        %get3A_525 = arith.constant 0 : i32
        %get3A_526 = arith.index_cast %get3A_525 : i32 to index
        %get3A_527 = arith.constant 112 : index
        %get3A_528 = tpu.vector_load %arg8[%get3A_526, %get3A_527] {strides = array<i32>} : memref<2x128xi32, #tpu.memory_space<vmem>>, vector<16xi32>,
        tpu.vector_store_idx %arg10[%get3A_528], %broadcast_in_dim3A_182 {add = true} : memref<10240xf32, #tpu.memory_space<vmem>>[vector<16xi32>], vector<16xf32>,
        %dma_wait3A_529 = arith.constant 0 : i32
        %dma_wait3A_530 = arith.constant 0 : i32
        %dma_wait3A_531 = arith.constant 0 : i32
        %dma_wait3A_532 = arith.constant 0 : i32
        %dma_wait3A_533 = tpu.memref_slice %arg9[%dma_wait3A_530, %dma_wait3A_531, %dma_wait3A_532] : memref<2x128x128xf32, #tpu.memory_space<vmem>> -> memref<1x128x128xf32, #tpu.memory_space<vmem>>
        %dma_wait3A_534 = tpu.memref_squeeze %dma_wait3A_533 : memref<1x128x128xf32, #tpu.memory_space<vmem>> -> memref<128x128xf32, #tpu.memory_space<vmem>>
        %dma_wait3A_535 = arith.constant 0 : i32
        %dma_wait3A_536 = tpu.memref_slice %arg7[%dma_wait3A_529, %dma_wait3A_535] : memref<2x128xi32, #tpu.memory_space<vmem>> -> memref<1x128xi32, #tpu.memory_space<vmem>>
        %dma_wait3A_537 = tpu.memref_squeeze %dma_wait3A_536 : memref<1x128xi32, #tpu.memory_space<vmem>> -> memref<128xi32, #tpu.memory_space<vmem>>
        %dma_wait3A_538 = arith.constant 0 : i32
        %dma_wait3A_539 = arith.constant 0 : i32
        %dma_wait3A_540 = tpu.memref_slice %arg2[%dma_wait3A_538, %dma_wait3A_539] : memref<10000x128xf32, #tpu.memory_space<hbm>> -> memref<10000x128xf32, #tpu.memory_space<hbm>>
        tpu.wait_indirect_dma semaphore(%arg13 : memref<!tpu.dma_semaphore, #tpu.memory_space<semaphore_mem>>) src(%dma_wait3A_540 : memref<10000x128xf32, #tpu.memory_space<hbm>>) dst(%dma_wait3A_534 : memref<128x128xf32, #tpu.memory_space<vmem>>)
        %run_scoped3A_541 = arith.constant 0 : i32
        %run_scoped3A_542 = arith.constant 0 : i32
        "tpu.region"() ({
          %run_scoped3A_550 = tpu.sem_alloc : memref<!tpu.dma_semaphore, #tpu.memory_space<semaphore_mem>>
          %dma_start3A_551 = arith.constant 0 : i32
          %dma_start3A_552 = arith.constant 0 : i32
          %dma_start3A_553 = tpu.memref_slice %arg9[%run_scoped3A_541, %dma_start3A_551, %dma_start3A_552] : memref<2x128x128xf32, #tpu.memory_space<vmem>> -> memref<1x128x128xf32, #tpu.memory_space<vmem>>
          %dma_start3A_554 = tpu.memref_squeeze %dma_start3A_553 : memref<1x128x128xf32, #tpu.memory_space<vmem>> -> memref<128x128xf32, #tpu.memory_space<vmem>>
          %dma_start3A_555 = arith.constant 0 : i32
          %dma_start3A_556 = tpu.memref_slice %arg8[%run_scoped3A_542, %dma_start3A_555] : memref<2x128xi32, #tpu.memory_space<vmem>> -> memref<1x128xi32, #tpu.memory_space<vmem>>
          %dma_start3A_557 = tpu.memref_squeeze %dma_start3A_556 : memref<1x128xi32, #tpu.memory_space<vmem>> -> memref<128xi32, #tpu.memory_space<vmem>>
          %dma_start3A_558 = arith.constant 0 : i32
          %dma_start3A_559 = arith.constant 0 : i32
          %dma_start3A_560 = tpu.memref_slice %arg6[%dma_start3A_558, %dma_start3A_559] : memref<10240x128xf32, #tpu.memory_space<vmem_shared>> -> memref<10240x128xf32, #tpu.memory_space<vmem_shared>>
          tpu.enqueue_indirect_dma source(%dma_start3A_554 : memref<128x128xf32, #tpu.memory_space<vmem>>) target(%dma_start3A_560 : memref<10240x128xf32, #tpu.memory_space<vmem_shared>>) offsets(%dma_start3A_557 : memref<128xi32, #tpu.memory_space<vmem>>) semaphore(%run_scoped3A_550 : memref<!tpu.dma_semaphore, #tpu.memory_space<semaphore_mem>>) {add = true}
          %dma_wait3A_561 = arith.constant 0 : i32
          %dma_wait3A_562 = arith.constant 0 : i32
          %dma_wait3A_563 = tpu.memref_slice %arg9[%run_scoped3A_541, %dma_wait3A_561, %dma_wait3A_562] : memref<2x128x128xf32, #tpu.memory_space<vmem>> -> memref<1x128x128xf32, #tpu.memory_space<vmem>>
          %dma_wait3A_564 = tpu.memref_squeeze %dma_wait3A_563 : memref<1x128x128xf32, #tpu.memory_space<vmem>> -> memref<128x128xf32, #tpu.memory_space<vmem>>
          %dma_wait3A_565 = arith.constant 0 : i32
          %dma_wait3A_566 = tpu.memref_slice %arg8[%run_scoped3A_542, %dma_wait3A_565] : memref<2x128xi32, #tpu.memory_space<vmem>> -> memref<1x128xi32, #tpu.memory_space<vmem>>
          %dma_wait3A_567 = tpu.memref_squeeze %dma_wait3A_566 : memref<1x128xi32, #tpu.memory_space<vmem>> -> memref<128xi32, #tpu.memory_space<vmem>>
          %dma_wait3A_568 = arith.constant 0 : i32
          %dma_wait3A_569 = arith.constant 0 : i32
          %dma_wait3A_570 = tpu.memref_slice %arg6[%dma_wait3A_568, %dma_wait3A_569] : memref<10240x128xf32, #tpu.memory_space<vmem_shared>> -> memref<10240x128xf32, #tpu.memory_space<vmem_shared>>
          tpu.wait_indirect_dma semaphore(%run_scoped3A_550 : memref<!tpu.dma_semaphore, #tpu.memory_space<semaphore_mem>>) src(%dma_wait3A_564 : memref<128x128xf32, #tpu.memory_space<vmem>>) dst(%dma_wait3A_570 : memref<10240x128xf32, #tpu.memory_space<vmem_shared>>)
          tpu.yield
        }) : () -> ()
        %add3A_543 = arith.constant 64 : i32
        %add3A_544 = arith.addi %add3A_473, %add3A_543 : i32
        %lt3A_545 = arith.constant 2500 : i32
        %lt3A_546 = arith.cmpi slt, %add3A_544, %lt3A_545 : i32
        %convert_element_type3A_547 = arith.extui %lt3A_546 : i1 to i32
        %cond3A_548 = arith.constant 0 : i32
        %cond3A_549 = arith.cmpi ne, %convert_element_type3A_547, %cond3A_548 : i32
        scf.if %cond3A_549 {
          %add3A_550 = arith.constant 2 : i32
          %add3A_551 = arith.addi %mul3A_470, %add3A_550 : i32
          %mul3A_552 = arith.constant 32 : i32
          %mul3A_553 = arith.muli %add3A_551, %mul3A_552 : i32
          %add3A_554 = arith.addi %add3A, %mul3A_553 : i32
          %mul3A_555 = arith.constant 128 : i32
          %mul3A_556 = arith.muli %add3A_554, %mul3A_555 : i32
          %dma_start3A_557 = arith.constant 0 : i32
          %dma_start3A_558 = arith.constant 0 : i32
          %dma_start3A_559 = arith.constant 0 : i32
          %dma_start3A_560 = tpu.memref_slice %arg7[%dma_start3A_558, %dma_start3A_559] : memref<2x128xi32, #tpu.memory_space<vmem>> -> memref<1x128xi32, #tpu.memory_space<vmem>>
          %dma_start3A_561 = tpu.memref_squeeze %dma_start3A_560 : memref<1x128xi32, #tpu.memory_space<vmem>> -> memref<128xi32, #tpu.memory_space<vmem>>
          %dma_start3A_562 = tpu.memref_slice %arg3[%dma_start3A_557, %mul3A_556] : memref<2x320000xi32, #tpu.memory_space<hbm>> -> memref<1x128xi32, #tpu.memory_space<hbm>>
          %dma_start3A_563 = tpu.memref_squeeze %dma_start3A_562 : memref<1x128xi32, #tpu.memory_space<hbm>> -> memref<128xi32, #tpu.memory_space<hbm>>
          %dma_start3A_564 = arith.constant 0 : i32
          %dma_start3A_565 = tpu.memref_slice %arg7[%dma_start3A_558, %dma_start3A_564] : memref<2x128xi32, #tpu.memory_space<vmem>> -> memref<1x128xi32, #tpu.memory_space<vmem>>
          %dma_start3A_566 = tpu.memref_squeeze %dma_start3A_565 : memref<1x128xi32, #tpu.memory_space<vmem>> -> memref<128xi32, #tpu.memory_space<vmem>>
          %dma_start3A_567 = tpu.memref_slice %arg3[%dma_start3A_557, %mul3A_556] : memref<2x320000xi32, #tpu.memory_space<hbm>> -> memref<1x128xi32, #tpu.memory_space<hbm>>
          %dma_start3A_568 = tpu.memref_squeeze %dma_start3A_567 : memref<1x128xi32, #tpu.memory_space<hbm>> -> memref<128xi32, #tpu.memory_space<hbm>>
          tpu.enqueue_dma source(%dma_start3A_568 : memref<128xi32, #tpu.memory_space<hbm>>) target(%dma_start3A_566 : memref<128xi32, #tpu.memory_space<vmem>>) target_semaphore(%arg11 : memref<!tpu.dma_semaphore, #tpu.memory_space<semaphore_mem>>)
          %dma_start3A_569 = arith.constant 1 : i32
          %dma_start3A_570 = arith.constant 0 : i32
          %dma_start3A_571 = arith.constant 0 : i32
          %dma_start3A_572 = tpu.memref_slice %arg8[%dma_start3A_570, %dma_start3A_571] : memref<2x128xi32, #tpu.memory_space<vmem>> -> memref<1x128xi32, #tpu.memory_space<vmem>>
          %dma_start3A_573 = tpu.memref_squeeze %dma_start3A_572 : memref<1x128xi32, #tpu.memory_space<vmem>> -> memref<128xi32, #tpu.memory_space<vmem>>
          %dma_start3A_574 = tpu.memref_slice %arg3[%dma_start3A_569, %mul3A_556] : memref<2x320000xi32, #tpu.memory_space<hbm>> -> memref<1x128xi32, #tpu.memory_space<hbm>>
          %dma_start3A_575 = tpu.memref_squeeze %dma_start3A_574 : memref<1x128xi32, #tpu.memory_space<hbm>> -> memref<128xi32, #tpu.memory_space<hbm>>
          %dma_start3A_576 = arith.constant 0 : i32
          %dma_start3A_577 = tpu.memref_slice %arg8[%dma_start3A_570, %dma_start3A_576] : memref<2x128xi32, #tpu.memory_space<vmem>> -> memref<1x128xi32, #tpu.memory_space<vmem>>
          %dma_start3A_578 = tpu.memref_squeeze %dma_start3A_577 : memref<1x128xi32, #tpu.memory_space<vmem>> -> memref<128xi32, #tpu.memory_space<vmem>>
          %dma_start3A_579 = tpu.memref_slice %arg3[%dma_start3A_569, %mul3A_556] : memref<2x320000xi32, #tpu.memory_space<hbm>> -> memref<1x128xi32, #tpu.memory_space<hbm>>
          %dma_start3A_580 = tpu.memref_squeeze %dma_start3A_579 : memref<1x128xi32, #tpu.memory_space<hbm>> -> memref<128xi32, #tpu.memory_space<hbm>>
          tpu.enqueue_dma source(%dma_start3A_580 : memref<128xi32, #tpu.memory_space<hbm>>) target(%dma_start3A_578 : memref<128xi32, #tpu.memory_space<vmem>>) target_semaphore(%arg11 : memref<!tpu.dma_semaphore, #tpu.memory_space<semaphore_mem>>)
        } else {
        }
      } else {
      }
      %add3A_479 = arith.constant 1 : i32
      %add3A_480 = arith.addi %mul3A_470, %add3A_479 : i32
      %add3A_481 = arith.constant 1 : i32
      %add3A_482 = arith.addi %mul3A_470, %add3A_481 : i32
      %mul3A_483 = arith.constant 32 : i32
      %mul3A_484 = arith.muli %add3A_482, %mul3A_483 : i32
      %add3A_485 = arith.addi %add3A, %mul3A_484 : i32
      %lt3A_486 = arith.constant 2500 : i32
      %lt3A_487 = arith.cmpi slt, %add3A_485, %lt3A_486 : i32
      %convert_element_type3A_488 = arith.extui %lt3A_487 : i1 to i32
      %cond3A_489 = arith.constant 0 : i32
      %cond3A_490 = arith.cmpi ne, %convert_element_type3A_488, %cond3A_489 : i32
      scf.if %cond3A_490 {
        %add3A_491 = arith.constant 32 : i32
        %add3A_492 = arith.addi %add3A_485, %add3A_491 : i32
        %lt3A_493 = arith.constant 2500 : i32
        %lt3A_494 = arith.cmpi slt, %add3A_492, %lt3A_493 : i32
        %convert_element_type3A_495 = arith.extui %lt3A_494 : i1 to i32
        %cond3A_496 = arith.constant 0 : i32
        %cond3A_497 = arith.cmpi ne, %convert_element_type3A_495, %cond3A_496 : i32
        scf.if %cond3A_497 {
          %dma_wait3A_550 = arith.constant 0 : i32
          %dma_wait3A_551 = arith.constant 0 : i32
          %dma_wait3A_552 = arith.constant 0 : i32
          %dma_wait3A_553 = tpu.memref_slice %arg7[%dma_wait3A_551, %dma_wait3A_552] : memref<2x128xi32, #tpu.memory_space<vmem>> -> memref<1x128xi32, #tpu.memory_space<vmem>>
          %dma_wait3A_554 = tpu.memref_squeeze %dma_wait3A_553 : memref<1x128xi32, #tpu.memory_space<vmem>> -> memref<128xi32, #tpu.memory_space<vmem>>
          %dma_wait3A_555 = arith.constant 0 : i32
          %dma_wait3A_556 = tpu.memref_slice %arg3[%dma_wait3A_550, %dma_wait3A_555] : memref<2x320000xi32, #tpu.memory_space<hbm>> -> memref<1x128xi32, #tpu.memory_space<hbm>>
          %dma_wait3A_557 = tpu.memref_squeeze %dma_wait3A_556 : memref<1x128xi32, #tpu.memory_space<hbm>> -> memref<128xi32, #tpu.memory_space<hbm>>
          %dma_wait3A_558 = arith.constant 0 : i32
          %dma_wait3A_559 = tpu.memref_slice %arg7[%dma_wait3A_551, %dma_wait3A_558] : memref<2x128xi32, #tpu.memory_space<vmem>> -> memref<1x128xi32, #tpu.memory_space<vmem>>
          %dma_wait3A_560 = tpu.memref_squeeze %dma_wait3A_559 : memref<1x128xi32, #tpu.memory_space<vmem>> -> memref<128xi32, #tpu.memory_space<vmem>>
          %dma_wait3A_561 = arith.constant 0 : i32
          %dma_wait3A_562 = tpu.memref_slice %arg3[%dma_wait3A_550, %dma_wait3A_561] : memref<2x320000xi32, #tpu.memory_space<hbm>> -> memref<1x128xi32, #tpu.memory_space<hbm>>
          %dma_wait3A_563 = tpu.memref_squeeze %dma_wait3A_562 : memref<1x128xi32, #tpu.memory_space<hbm>> -> memref<128xi32, #tpu.memory_space<hbm>>
          tpu.wait_dma2 semaphore(%arg11 : memref<!tpu.dma_semaphore, #tpu.memory_space<semaphore_mem>>) src(%dma_wait3A_563 : memref<128xi32, #tpu.memory_space<hbm>>) dst(%dma_wait3A_560 : memref<128xi32, #tpu.memory_space<vmem>>)
          %dma_wait3A_564 = arith.constant 1 : i32
          %dma_wait3A_565 = arith.constant 0 : i32
          %dma_wait3A_566 = arith.constant 0 : i32
          %dma_wait3A_567 = tpu.memref_slice %arg8[%dma_wait3A_565, %dma_wait3A_566] : memref<2x128xi32, #tpu.memory_space<vmem>> -> memref<1x128xi32, #tpu.memory_space<vmem>>
          %dma_wait3A_568 = tpu.memref_squeeze %dma_wait3A_567 : memref<1x128xi32, #tpu.memory_space<vmem>> -> memref<128xi32, #tpu.memory_space<vmem>>
          %dma_wait3A_569 = arith.constant 0 : i32
          %dma_wait3A_570 = tpu.memref_slice %arg3[%dma_wait3A_564, %dma_wait3A_569] : memref<2x320000xi32, #tpu.memory_space<hbm>> -> memref<1x128xi32, #tpu.memory_space<hbm>>
          %dma_wait3A_571 = tpu.memref_squeeze %dma_wait3A_570 : memref<1x128xi32, #tpu.memory_space<hbm>> -> memref<128xi32, #tpu.memory_space<hbm>>
          %dma_wait3A_572 = arith.constant 0 : i32
          %dma_wait3A_573 = tpu.memref_slice %arg8[%dma_wait3A_565, %dma_wait3A_572] : memref<2x128xi32, #tpu.memory_space<vmem>> -> memref<1x128xi32, #tpu.memory_space<vmem>>
          %dma_wait3A_574 = tpu.memref_squeeze %dma_wait3A_573 : memref<1x128xi32, #tpu.memory_space<vmem>> -> memref<128xi32, #tpu.memory_space<vmem>>
          %dma_wait3A_575 = arith.constant 0 : i32
          %dma_wait3A_576 = tpu.memref_slice %arg3[%dma_wait3A_564, %dma_wait3A_575] : memref<2x320000xi32, #tpu.memory_space<hbm>> -> memref<1x128xi32, #tpu.memory_space<hbm>>
          %dma_wait3A_577 = tpu.memref_squeeze %dma_wait3A_576 : memref<1x128xi32, #tpu.memory_space<hbm>> -> memref<128xi32, #tpu.memory_space<hbm>>
          tpu.wait_dma2 semaphore(%arg11 : memref<!tpu.dma_semaphore, #tpu.memory_space<semaphore_mem>>) src(%dma_wait3A_577 : memref<128xi32, #tpu.memory_space<hbm>>) dst(%dma_wait3A_574 : memref<128xi32, #tpu.memory_space<vmem>>)
          %dma_start3A_578 = arith.constant 0 : i32
          %dma_start3A_579 = arith.constant 0 : i32
          %dma_start3A_580 = arith.constant 0 : i32
          %dma_start3A_581 = arith.constant 0 : i32
          %dma_start3A_582 = tpu.memref_slice %arg9[%dma_start3A_579, %dma_start3A_580, %dma_start3A_581] : memref<2x128x128xf32, #tpu.memory_space<vmem>> -> memref<1x128x128xf32, #tpu.memory_space<vmem>>
          %dma_start3A_583 = tpu.memref_squeeze %dma_start3A_582 : memref<1x128x128xf32, #tpu.memory_space<vmem>> -> memref<128x128xf32, #tpu.memory_space<vmem>>
          %dma_start3A_584 = arith.constant 0 : i32
          %dma_start3A_585 = tpu.memref_slice %arg7[%dma_start3A_578, %dma_start3A_584] : memref<2x128xi32, #tpu.memory_space<vmem>> -> memref<1x128xi32, #tpu.memory_space<vmem>>
          %dma_start3A_586 = tpu.memref_squeeze %dma_start3A_585 : memref<1x128xi32, #tpu.memory_space<vmem>> -> memref<128xi32, #tpu.memory_space<vmem>>
          %dma_start3A_587 = arith.constant 0 : i32
          %dma_start3A_588 = arith.constant 0 : i32
          %dma_start3A_589 = tpu.memref_slice %arg2[%dma_start3A_587, %dma_start3A_588] : memref<10000x128xf32, #tpu.memory_space<hbm>> -> memref<10000x128xf32, #tpu.memory_space<hbm>>
          tpu.enqueue_indirect_dma source(%dma_start3A_589 : memref<10000x128xf32, #tpu.memory_space<hbm>>) target(%dma_start3A_583 : memref<128x128xf32, #tpu.memory_space<vmem>>) offsets(%dma_start3A_586 : memref<128xi32, #tpu.memory_space<vmem>>) semaphore(%arg13 : memref<!tpu.dma_semaphore, #tpu.memory_space<semaphore_mem>>)
        } else {
        }
        %get3A = arith.constant 1 : i32
        %get3A_498 = arith.index_cast %get3A : i32 to index
        %get3A_499 = arith.constant 0 : index
        %get3A_500 = tpu.vector_load %arg8[%get3A_498, %get3A_499] {strides = array<i32>} : memref<2x128xi32, #tpu.memory_space<vmem>>, vector<16xi32>,
        tpu.vector_store_idx %arg10[%get3A_500], %broadcast_in_dim3A_182 {add = true} : memref<10240xf32, #tpu.memory_space<vmem>>[vector<16xi32>], vector<16xf32>,
        %get3A_501 = arith.constant 1 : i32
        %get3A_502 = arith.index_cast %get3A_501 : i32 to index
        %get3A_503 = arith.constant 16 : index
        %get3A_504 = tpu.vector_load %arg8[%get3A_502, %get3A_503] {strides = array<i32>} : memref<2x128xi32, #tpu.memory_space<vmem>>, vector<16xi32>,
        tpu.vector_store_idx %arg10[%get3A_504], %broadcast_in_dim3A_182 {add = true} : memref<10240xf32, #tpu.memory_space<vmem>>[vector<16xi32>], vector<16xf32>,
        %get3A_505 = arith.constant 1 : i32
        %get3A_506 = arith.index_cast %get3A_505 : i32 to index
        %get3A_507 = arith.constant 32 : index
        %get3A_508 = tpu.vector_load %arg8[%get3A_506, %get3A_507] {strides = array<i32>} : memref<2x128xi32, #tpu.memory_space<vmem>>, vector<16xi32>,
        tpu.vector_store_idx %arg10[%get3A_508], %broadcast_in_dim3A_182 {add = true} : memref<10240xf32, #tpu.memory_space<vmem>>[vector<16xi32>], vector<16xf32>,
        %get3A_509 = arith.constant 1 : i32
        %get3A_510 = arith.index_cast %get3A_509 : i32 to index
        %get3A_511 = arith.constant 48 : index
        %get3A_512 = tpu.vector_load %arg8[%get3A_510, %get3A_511] {strides = array<i32>} : memref<2x128xi32, #tpu.memory_space<vmem>>, vector<16xi32>,
        tpu.vector_store_idx %arg10[%get3A_512], %broadcast_in_dim3A_182 {add = true} : memref<10240xf32, #tpu.memory_space<vmem>>[vector<16xi32>], vector<16xf32>,
        %get3A_513 = arith.constant 1 : i32
        %get3A_514 = arith.index_cast %get3A_513 : i32 to index
        %get3A_515 = arith.constant 64 : index
        %get3A_516 = tpu.vector_load %arg8[%get3A_514, %get3A_515] {strides = array<i32>} : memref<2x128xi32, #tpu.memory_space<vmem>>, vector<16xi32>,
        tpu.vector_store_idx %arg10[%get3A_516], %broadcast_in_dim3A_182 {add = true} : memref<10240xf32, #tpu.memory_space<vmem>>[vector<16xi32>], vector<16xf32>,
        %get3A_517 = arith.constant 1 : i32
        %get3A_518 = arith.index_cast %get3A_517 : i32 to index
        %get3A_519 = arith.constant 80 : index
        %get3A_520 = tpu.vector_load %arg8[%get3A_518, %get3A_519] {strides = array<i32>} : memref<2x128xi32, #tpu.memory_space<vmem>>, vector<16xi32>,
        tpu.vector_store_idx %arg10[%get3A_520], %broadcast_in_dim3A_182 {add = true} : memref<10240xf32, #tpu.memory_space<vmem>>[vector<16xi32>], vector<16xf32>,
        %get3A_521 = arith.constant 1 : i32
        %get3A_522 = arith.index_cast %get3A_521 : i32 to index
        %get3A_523 = arith.constant 96 : index
        %get3A_524 = tpu.vector_load %arg8[%get3A_522, %get3A_523] {strides = array<i32>} : memref<2x128xi32, #tpu.memory_space<vmem>>, vector<16xi32>,
        tpu.vector_store_idx %arg10[%get3A_524], %broadcast_in_dim3A_182 {add = true} : memref<10240xf32, #tpu.memory_space<vmem>>[vector<16xi32>], vector<16xf32>,
        %get3A_525 = arith.constant 1 : i32
        %get3A_526 = arith.index_cast %get3A_525 : i32 to index
        %get3A_527 = arith.constant 112 : index
        %get3A_528 = tpu.vector_load %arg8[%get3A_526, %get3A_527] {strides = array<i32>} : memref<2x128xi32, #tpu.memory_space<vmem>>, vector<16xi32>,
        tpu.vector_store_idx %arg10[%get3A_528], %broadcast_in_dim3A_182 {add = true} : memref<10240xf32, #tpu.memory_space<vmem>>[vector<16xi32>], vector<16xf32>,
        %dma_wait3A_529 = arith.constant 1 : i32
        %dma_wait3A_530 = arith.constant 1 : i32
        %dma_wait3A_531 = arith.constant 0 : i32
        %dma_wait3A_532 = arith.constant 0 : i32
        %dma_wait3A_533 = tpu.memref_slice %arg9[%dma_wait3A_530, %dma_wait3A_531, %dma_wait3A_532] : memref<2x128x128xf32, #tpu.memory_space<vmem>> -> memref<1x128x128xf32, #tpu.memory_space<vmem>>
        %dma_wait3A_534 = tpu.memref_squeeze %dma_wait3A_533 : memref<1x128x128xf32, #tpu.memory_space<vmem>> -> memref<128x128xf32, #tpu.memory_space<vmem>>
        %dma_wait3A_535 = arith.constant 0 : i32
        %dma_wait3A_536 = tpu.memref_slice %arg7[%dma_wait3A_529, %dma_wait3A_535] : memref<2x128xi32, #tpu.memory_space<vmem>> -> memref<1x128xi32, #tpu.memory_space<vmem>>
        %dma_wait3A_537 = tpu.memref_squeeze %dma_wait3A_536 : memref<1x128xi32, #tpu.memory_space<vmem>> -> memref<128xi32, #tpu.memory_space<vmem>>
        %dma_wait3A_538 = arith.constant 0 : i32
        %dma_wait3A_539 = arith.constant 0 : i32
        %dma_wait3A_540 = tpu.memref_slice %arg2[%dma_wait3A_538, %dma_wait3A_539] : memref<10000x128xf32, #tpu.memory_space<hbm>> -> memref<10000x128xf32, #tpu.memory_space<hbm>>
        tpu.wait_indirect_dma semaphore(%arg14 : memref<!tpu.dma_semaphore, #tpu.memory_space<semaphore_mem>>) src(%dma_wait3A_540 : memref<10000x128xf32, #tpu.memory_space<hbm>>) dst(%dma_wait3A_534 : memref<128x128xf32, #tpu.memory_space<vmem>>)
        %run_scoped3A_541 = arith.constant 1 : i32
        %run_scoped3A_542 = arith.constant 1 : i32
        "tpu.region"() ({
          %run_scoped3A_550 = tpu.sem_alloc : memref<!tpu.dma_semaphore, #tpu.memory_space<semaphore_mem>>
          %dma_start3A_551 = arith.constant 0 : i32
          %dma_start3A_552 = arith.constant 0 : i32
          %dma_start3A_553 = tpu.memref_slice %arg9[%run_scoped3A_541, %dma_start3A_551, %dma_start3A_552] : memref<2x128x128xf32, #tpu.memory_space<vmem>> -> memref<1x128x128xf32, #tpu.memory_space<vmem>>
          %dma_start3A_554 = tpu.memref_squeeze %dma_start3A_553 : memref<1x128x128xf32, #tpu.memory_space<vmem>> -> memref<128x128xf32, #tpu.memory_space<vmem>>
          %dma_start3A_555 = arith.constant 0 : i32
          %dma_start3A_556 = tpu.memref_slice %arg8[%run_scoped3A_542, %dma_start3A_555] : memref<2x128xi32, #tpu.memory_space<vmem>> -> memref<1x128xi32, #tpu.memory_space<vmem>>
          %dma_start3A_557 = tpu.memref_squeeze %dma_start3A_556 : memref<1x128xi32, #tpu.memory_space<vmem>> -> memref<128xi32, #tpu.memory_space<vmem>>
          %dma_start3A_558 = arith.constant 0 : i32
          %dma_start3A_559 = arith.constant 0 : i32
          %dma_start3A_560 = tpu.memref_slice %arg6[%dma_start3A_558, %dma_start3A_559] : memref<10240x128xf32, #tpu.memory_space<vmem_shared>> -> memref<10240x128xf32, #tpu.memory_space<vmem_shared>>
          tpu.enqueue_indirect_dma source(%dma_start3A_554 : memref<128x128xf32, #tpu.memory_space<vmem>>) target(%dma_start3A_560 : memref<10240x128xf32, #tpu.memory_space<vmem_shared>>) offsets(%dma_start3A_557 : memref<128xi32, #tpu.memory_space<vmem>>) semaphore(%run_scoped3A_550 : memref<!tpu.dma_semaphore, #tpu.memory_space<semaphore_mem>>) {add = true}
          %dma_wait3A_561 = arith.constant 0 : i32
          %dma_wait3A_562 = arith.constant 0 : i32
          %dma_wait3A_563 = tpu.memref_slice %arg9[%run_scoped3A_541, %dma_wait3A_561, %dma_wait3A_562] : memref<2x128x128xf32, #tpu.memory_space<vmem>> -> memref<1x128x128xf32, #tpu.memory_space<vmem>>
          %dma_wait3A_564 = tpu.memref_squeeze %dma_wait3A_563 : memref<1x128x128xf32, #tpu.memory_space<vmem>> -> memref<128x128xf32, #tpu.memory_space<vmem>>
          %dma_wait3A_565 = arith.constant 0 : i32
          %dma_wait3A_566 = tpu.memref_slice %arg8[%run_scoped3A_542, %dma_wait3A_565] : memref<2x128xi32, #tpu.memory_space<vmem>> -> memref<1x128xi32, #tpu.memory_space<vmem>>
          %dma_wait3A_567 = tpu.memref_squeeze %dma_wait3A_566 : memref<1x128xi32, #tpu.memory_space<vmem>> -> memref<128xi32, #tpu.memory_space<vmem>>
          %dma_wait3A_568 = arith.constant 0 : i32
          %dma_wait3A_569 = arith.constant 0 : i32
          %dma_wait3A_570 = tpu.memref_slice %arg6[%dma_wait3A_568, %dma_wait3A_569] : memref<10240x128xf32, #tpu.memory_space<vmem_shared>> -> memref<10240x128xf32, #tpu.memory_space<vmem_shared>>
          tpu.wait_indirect_dma semaphore(%run_scoped3A_550 : memref<!tpu.dma_semaphore, #tpu.memory_space<semaphore_mem>>) src(%dma_wait3A_564 : memref<128x128xf32, #tpu.memory_space<vmem>>) dst(%dma_wait3A_570 : memref<10240x128xf32, #tpu.memory_space<vmem_shared>>)
          tpu.yield
        }) : () -> ()
        %add3A_543 = arith.constant 64 : i32
        %add3A_544 = arith.addi %add3A_485, %add3A_543 : i32
        %lt3A_545 = arith.constant 2500 : i32
        %lt3A_546 = arith.cmpi slt, %add3A_544, %lt3A_545 : i32
        %convert_element_type3A_547 = arith.extui %lt3A_546 : i1 to i32
        %cond3A_548 = arith.constant 0 : i32
        %cond3A_549 = arith.cmpi ne, %convert_element_type3A_547, %cond3A_548 : i32
        scf.if %cond3A_549 {
          %add3A_550 = arith.constant 2 : i32
          %add3A_551 = arith.addi %add3A_480, %add3A_550 : i32
          %mul3A_552 = arith.constant 32 : i32
          %mul3A_553 = arith.muli %add3A_551, %mul3A_552 : i32
          %add3A_554 = arith.addi %add3A, %mul3A_553 : i32
          %mul3A_555 = arith.constant 128 : i32
          %mul3A_556 = arith.muli %add3A_554, %mul3A_555 : i32
          %dma_start3A_557 = arith.constant 0 : i32
          %dma_start3A_558 = arith.constant 1 : i32
          %dma_start3A_559 = arith.constant 0 : i32
          %dma_start3A_560 = tpu.memref_slice %arg7[%dma_start3A_558, %dma_start3A_559] : memref<2x128xi32, #tpu.memory_space<vmem>> -> memref<1x128xi32, #tpu.memory_space<vmem>>
          %dma_start3A_561 = tpu.memref_squeeze %dma_start3A_560 : memref<1x128xi32, #tpu.memory_space<vmem>> -> memref<128xi32, #tpu.memory_space<vmem>>
          %dma_start3A_562 = tpu.memref_slice %arg3[%dma_start3A_557, %mul3A_556] : memref<2x320000xi32, #tpu.memory_space<hbm>> -> memref<1x128xi32, #tpu.memory_space<hbm>>
          %dma_start3A_563 = tpu.memref_squeeze %dma_start3A_562 : memref<1x128xi32, #tpu.memory_space<hbm>> -> memref<128xi32, #tpu.memory_space<hbm>>
          %dma_start3A_564 = arith.constant 0 : i32
          %dma_start3A_565 = tpu.memref_slice %arg7[%dma_start3A_558, %dma_start3A_564] : memref<2x128xi32, #tpu.memory_space<vmem>> -> memref<1x128xi32, #tpu.memory_space<vmem>>
          %dma_start3A_566 = tpu.memref_squeeze %dma_start3A_565 : memref<1x128xi32, #tpu.memory_space<vmem>> -> memref<128xi32, #tpu.memory_space<vmem>>
          %dma_start3A_567 = tpu.memref_slice %arg3[%dma_start3A_557, %mul3A_556] : memref<2x320000xi32, #tpu.memory_space<hbm>> -> memref<1x128xi32, #tpu.memory_space<hbm>>
          %dma_start3A_568 = tpu.memref_squeeze %dma_start3A_567 : memref<1x128xi32, #tpu.memory_space<hbm>> -> memref<128xi32, #tpu.memory_space<hbm>>
          tpu.enqueue_dma source(%dma_start3A_568 : memref<128xi32, #tpu.memory_space<hbm>>) target(%dma_start3A_566 : memref<128xi32, #tpu.memory_space<vmem>>) target_semaphore(%arg12 : memref<!tpu.dma_semaphore, #tpu.memory_space<semaphore_mem>>)
          %dma_start3A_569 = arith.constant 1 : i32
          %dma_start3A_570 = arith.constant 1 : i32
          %dma_start3A_571 = arith.constant 0 : i32
          %dma_start3A_572 = tpu.memref_slice %arg8[%dma_start3A_570, %dma_start3A_571] : memref<2x128xi32, #tpu.memory_space<vmem>> -> memref<1x128xi32, #tpu.memory_space<vmem>>
          %dma_start3A_573 = tpu.memref_squeeze %dma_start3A_572 : memref<1x128xi32, #tpu.memory_space<vmem>> -> memref<128xi32, #tpu.memory_space<vmem>>
          %dma_start3A_574 = tpu.memref_slice %arg3[%dma_start3A_569, %mul3A_556] : memref<2x320000xi32, #tpu.memory_space<hbm>> -> memref<1x128xi32, #tpu.memory_space<hbm>>
          %dma_start3A_575 = tpu.memref_squeeze %dma_start3A_574 : memref<1x128xi32, #tpu.memory_space<hbm>> -> memref<128xi32, #tpu.memory_space<hbm>>
          %dma_start3A_576 = arith.constant 0 : i32
          %dma_start3A_577 = tpu.memref_slice %arg8[%dma_start3A_570, %dma_start3A_576] : memref<2x128xi32, #tpu.memory_space<vmem>> -> memref<1x128xi32, #tpu.memory_space<vmem>>
          %dma_start3A_578 = tpu.memref_squeeze %dma_start3A_577 : memref<1x128xi32, #tpu.memory_space<vmem>> -> memref<128xi32, #tpu.memory_space<vmem>>
          %dma_start3A_579 = tpu.memref_slice %arg3[%dma_start3A_569, %mul3A_556] : memref<2x320000xi32, #tpu.memory_space<hbm>> -> memref<1x128xi32, #tpu.memory_space<hbm>>
          %dma_start3A_580 = tpu.memref_squeeze %dma_start3A_579 : memref<1x128xi32, #tpu.memory_space<hbm>> -> memref<128xi32, #tpu.memory_space<hbm>>
          tpu.enqueue_dma source(%dma_start3A_580 : memref<128xi32, #tpu.memory_space<hbm>>) target(%dma_start3A_578 : memref<128xi32, #tpu.memory_space<vmem>>) target_semaphore(%arg12 : memref<!tpu.dma_semaphore, #tpu.memory_space<semaphore_mem>>)
        } else {
        }
      } else {
      }
    }
    %scan3A_260 = arith.constant 40 : i32
    %dma_start3A_261 = arith.constant 0 : i32
    %dma_start3A_262 = tpu.memref_slice %arg5[%add3A, %dma_start3A_261] : memref<32x10240xf32, #tpu.memory_space<hbm>> -> memref<1x10240xf32, #tpu.memory_space<hbm>>
    %dma_start3A_263 = tpu.memref_squeeze %dma_start3A_262 : memref<1x10240xf32, #tpu.memory_space<hbm>> -> memref<10240xf32, #tpu.memory_space<hbm>>
    %dma_start3A_264 = arith.constant 0 : i32
    %dma_start3A_265 = tpu.memref_slice %arg5[%add3A, %dma_start3A_264] : memref<32x10240xf32, #tpu.memory_space<hbm>> -> memref<1x10240xf32, #tpu.memory_space<hbm>>
    %dma_start3A_266 = tpu.memref_squeeze %dma_start3A_265 : memref<1x10240xf32, #tpu.memory_space<hbm>> -> memref<10240xf32, #tpu.memory_space<hbm>>
    tpu.enqueue_dma source(%arg10 : memref<10240xf32, #tpu.memory_space<vmem>>) target(%dma_start3A_266 : memref<10240xf32, #tpu.memory_space<hbm>>) target_semaphore(%arg11 : memref<!tpu.dma_semaphore, #tpu.memory_space<semaphore_mem>>)
    %barrier3A_267 = arith.constant 0 : index
    tpu.barrier barrier_id(%barrier3A_267)
    %mul3A_268 = arith.constant 640 : i32
    %mul3A_269 = arith.muli %arg1, %mul3A_268 : i32
    %add3A_270 = arith.constant 0 : i32
    %add3A_271 = arith.addi %mul3A_269, %add3A_270 : i32
    %run_scoped3A = arith.constant 0 : i32
    "tpu.region"() ({
      %run_scoped3A_468 = tpu.sem_alloc : memref<!tpu.dma_semaphore, #tpu.memory_space<semaphore_mem>>
      %dma_start3A_469 = arith.constant 0 : i32
      %dma_start3A_470 = arith.constant 0 : i32
      %dma_start3A_471 = tpu.memref_slice %arg9[%run_scoped3A, %dma_start3A_469, %dma_start3A_470] : memref<2x128x128xf32, #tpu.memory_space<vmem>> -> memref<1x128x128xf32, #tpu.memory_space<vmem>>
      %dma_start3A_472 = tpu.memref_squeeze %dma_start3A_471 : memref<1x128x128xf32, #tpu.memory_space<vmem>> -> memref<128x128xf32, #tpu.memory_space<vmem>>
      %dma_start3A_473 = arith.constant 0 : i32
      %dma_start3A_474 = tpu.memref_slice %arg6[%add3A_271, %dma_start3A_473] : memref<10240x128xf32, #tpu.memory_space<vmem_shared>> -> memref<128x128xf32, #tpu.memory_space<vmem_shared>>
      %dma_start3A_475 = arith.constant 0 : i32
      %dma_start3A_476 = arith.constant 0 : i32
      %dma_start3A_477 = tpu.memref_slice %arg9[%run_scoped3A, %dma_start3A_475, %dma_start3A_476] : memref<2x128x128xf32, #tpu.memory_space<vmem>> -> memref<1x128x128xf32, #tpu.memory_space<vmem>>
      %dma_start3A_478 = tpu.memref_squeeze %dma_start3A_477 : memref<1x128x128xf32, #tpu.memory_space<vmem>> -> memref<128x128xf32, #tpu.memory_space<vmem>>
      %dma_start3A_479 = arith.constant 0 : i32
      %dma_start3A_480 = tpu.memref_slice %arg6[%add3A_271, %dma_start3A_479] : memref<10240x128xf32, #tpu.memory_space<vmem_shared>> -> memref<128x128xf32, #tpu.memory_space<vmem_shared>>
      tpu.enqueue_dma source(%dma_start3A_480 : memref<128x128xf32, #tpu.memory_space<vmem_shared>>) target(%dma_start3A_478 : memref<128x128xf32, #tpu.memory_space<vmem>>) target_semaphore(%run_scoped3A_468 : memref<!tpu.dma_semaphore, #tpu.memory_space<semaphore_mem>>)
      %dma_wait3A_481 = arith.constant 0 : i32
      %dma_wait3A_482 = arith.constant 0 : i32
      %dma_wait3A_483 = tpu.memref_slice %arg9[%run_scoped3A, %dma_wait3A_481, %dma_wait3A_482] : memref<2x128x128xf32, #tpu.memory_space<vmem>> -> memref<1x128x128xf32, #tpu.memory_space<vmem>>
      %dma_wait3A_484 = tpu.memref_squeeze %dma_wait3A_483 : memref<1x128x128xf32, #tpu.memory_space<vmem>> -> memref<128x128xf32, #tpu.memory_space<vmem>>
      %dma_wait3A_485 = arith.constant 0 : i32
      %dma_wait3A_486 = tpu.memref_slice %arg6[%add3A_271, %dma_wait3A_485] : memref<10240x128xf32, #tpu.memory_space<vmem_shared>> -> memref<128x128xf32, #tpu.memory_space<vmem_shared>>
      %dma_wait3A_487 = arith.constant 0 : i32
      %dma_wait3A_488 = arith.constant 0 : i32
      %dma_wait3A_489 = tpu.memref_slice %arg9[%run_scoped3A, %dma_wait3A_487, %dma_wait3A_488] : memref<2x128x128xf32, #tpu.memory_space<vmem>> -> memref<1x128x128xf32, #tpu.memory_space<vmem>>
      %dma_wait3A_490 = tpu.memref_squeeze %dma_wait3A_489 : memref<1x128x128xf32, #tpu.memory_space<vmem>> -> memref<128x128xf32, #tpu.memory_space<vmem>>
      %dma_wait3A_491 = arith.constant 0 : i32
      %dma_wait3A_492 = tpu.memref_slice %arg6[%add3A_271, %dma_wait3A_491] : memref<10240x128xf32, #tpu.memory_space<vmem_shared>> -> memref<128x128xf32, #tpu.memory_space<vmem_shared>>
      tpu.wait_dma2 semaphore(%run_scoped3A_468 : memref<!tpu.dma_semaphore, #tpu.memory_space<semaphore_mem>>) src(%dma_wait3A_492 : memref<128x128xf32, #tpu.memory_space<vmem_shared>>) dst(%dma_wait3A_490 : memref<128x128xf32, #tpu.memory_space<vmem>>)
      tpu.yield
    }) : () -> ()
    %dma_start3A_272 = arith.constant 0 : i32
    %dma_start3A_273 = arith.constant 0 : i32
    %dma_start3A_274 = arith.constant 0 : i32
    %dma_start3A_275 = tpu.memref_slice %arg9[%dma_start3A_272, %dma_start3A_273, %dma_start3A_274] : memref<2x128x128xf32, #tpu.memory_space<vmem>> -> memref<1x128x128xf32, #tpu.memory_space<vmem>>
    %dma_start3A_276 = tpu.memref_squeeze %dma_start3A_275 : memref<1x128x128xf32, #tpu.memory_space<vmem>> -> memref<128x128xf32, #tpu.memory_space<vmem>>
    %dma_start3A_277 = arith.constant 0 : i32
    %dma_start3A_278 = tpu.memref_slice %arg4[%arg0, %add3A_271, %dma_start3A_277] : memref<2x10240x128xf32, #tpu.memory_space<hbm>> -> memref<1x128x128xf32, #tpu.memory_space<hbm>>
    %dma_start3A_279 = tpu.memref_squeeze %dma_start3A_278 : memref<1x128x128xf32, #tpu.memory_space<hbm>> -> memref<128x128xf32, #tpu.memory_space<hbm>>
    %dma_start3A_280 = arith.constant 0 : i32
    %dma_start3A_281 = tpu.memref_slice %arg4[%arg0, %add3A_271, %dma_start3A_280] : memref<2x10240x128xf32, #tpu.memory_space<hbm>> -> memref<1x128x128xf32, #tpu.memory_space<hbm>>
    %dma_start3A_282 = tpu.memref_squeeze %dma_start3A_281 : memref<1x128x128xf32, #tpu.memory_space<hbm>> -> memref<128x128xf32, #tpu.memory_space<hbm>>
    %dma_start3A_283 = arith.constant 0 : i32
    %dma_start3A_284 = arith.constant 0 : i32
    %dma_start3A_285 = tpu.memref_slice %arg9[%dma_start3A_272, %dma_start3A_283, %dma_start3A_284] : memref<2x128x128xf32, #tpu.memory_space<vmem>> -> memref<1x128x128xf32, #tpu.memory_space<vmem>>
    %dma_start3A_286 = tpu.memref_squeeze %dma_start3A_285 : memref<1x128x128xf32, #tpu.memory_space<vmem>> -> memref<128x128xf32, #tpu.memory_space<vmem>>
    tpu.enqueue_dma source(%dma_start3A_286 : memref<128x128xf32, #tpu.memory_space<vmem>>) target(%dma_start3A_282 : memref<128x128xf32, #tpu.memory_space<hbm>>) target_semaphore(%arg13 : memref<!tpu.dma_semaphore, #tpu.memory_space<semaphore_mem>>)
    %mul3A_287 = arith.constant 640 : i32
    %mul3A_288 = arith.muli %arg1, %mul3A_287 : i32
    %add3A_289 = arith.constant 128 : i32
    %add3A_290 = arith.addi %mul3A_288, %add3A_289 : i32
    %run_scoped3A_291 = arith.constant 1 : i32
    "tpu.region"() ({
      %run_scoped3A_468 = tpu.sem_alloc : memref<!tpu.dma_semaphore, #tpu.memory_space<semaphore_mem>>
      %dma_start3A_469 = arith.constant 0 : i32
      %dma_start3A_470 = arith.constant 0 : i32
      %dma_start3A_471 = tpu.memref_slice %arg9[%run_scoped3A_291, %dma_start3A_469, %dma_start3A_470] : memref<2x128x128xf32, #tpu.memory_space<vmem>> -> memref<1x128x128xf32, #tpu.memory_space<vmem>>
      %dma_start3A_472 = tpu.memref_squeeze %dma_start3A_471 : memref<1x128x128xf32, #tpu.memory_space<vmem>> -> memref<128x128xf32, #tpu.memory_space<vmem>>
      %dma_start3A_473 = arith.constant 0 : i32
      %dma_start3A_474 = tpu.memref_slice %arg6[%add3A_290, %dma_start3A_473] : memref<10240x128xf32, #tpu.memory_space<vmem_shared>> -> memref<128x128xf32, #tpu.memory_space<vmem_shared>>
      %dma_start3A_475 = arith.constant 0 : i32
      %dma_start3A_476 = arith.constant 0 : i32
      %dma_start3A_477 = tpu.memref_slice %arg9[%run_scoped3A_291, %dma_start3A_475, %dma_start3A_476] : memref<2x128x128xf32, #tpu.memory_space<vmem>> -> memref<1x128x128xf32, #tpu.memory_space<vmem>>
      %dma_start3A_478 = tpu.memref_squeeze %dma_start3A_477 : memref<1x128x128xf32, #tpu.memory_space<vmem>> -> memref<128x128xf32, #tpu.memory_space<vmem>>
      %dma_start3A_479 = arith.constant 0 : i32
      %dma_start3A_480 = tpu.memref_slice %arg6[%add3A_290, %dma_start3A_479] : memref<10240x128xf32, #tpu.memory_space<vmem_shared>> -> memref<128x128xf32, #tpu.memory_space<vmem_shared>>
      tpu.enqueue_dma source(%dma_start3A_480 : memref<128x128xf32, #tpu.memory_space<vmem_shared>>) target(%dma_start3A_478 : memref<128x128xf32, #tpu.memory_space<vmem>>) target_semaphore(%run_scoped3A_468 : memref<!tpu.dma_semaphore, #tpu.memory_space<semaphore_mem>>)
      %dma_wait3A_481 = arith.constant 0 : i32
      %dma_wait3A_482 = arith.constant 0 : i32
      %dma_wait3A_483 = tpu.memref_slice %arg9[%run_scoped3A_291, %dma_wait3A_481, %dma_wait3A_482] : memref<2x128x128xf32, #tpu.memory_space<vmem>> -> memref<1x128x128xf32, #tpu.memory_space<vmem>>
      %dma_wait3A_484 = tpu.memref_squeeze %dma_wait3A_483 : memref<1x128x128xf32, #tpu.memory_space<vmem>> -> memref<128x128xf32, #tpu.memory_space<vmem>>
      %dma_wait3A_485 = arith.constant 0 : i32
      %dma_wait3A_486 = tpu.memref_slice %arg6[%add3A_290, %dma_wait3A_485] : memref<10240x128xf32, #tpu.memory_space<vmem_shared>> -> memref<128x128xf32, #tpu.memory_space<vmem_shared>>
      %dma_wait3A_487 = arith.constant 0 : i32
      %dma_wait3A_488 = arith.constant 0 : i32
      %dma_wait3A_489 = tpu.memref_slice %arg9[%run_scoped3A_291, %dma_wait3A_487, %dma_wait3A_488] : memref<2x128x128xf32, #tpu.memory_space<vmem>> -> memref<1x128x128xf32, #tpu.memory_space<vmem>>
      %dma_wait3A_490 = tpu.memref_squeeze %dma_wait3A_489 : memref<1x128x128xf32, #tpu.memory_space<vmem>> -> memref<128x128xf32, #tpu.memory_space<vmem>>
      %dma_wait3A_491 = arith.constant 0 : i32
      %dma_wait3A_492 = tpu.memref_slice %arg6[%add3A_290, %dma_wait3A_491] : memref<10240x128xf32, #tpu.memory_space<vmem_shared>> -> memref<128x128xf32, #tpu.memory_space<vmem_shared>>
      tpu.wait_dma2 semaphore(%run_scoped3A_468 : memref<!tpu.dma_semaphore, #tpu.memory_space<semaphore_mem>>) src(%dma_wait3A_492 : memref<128x128xf32, #tpu.memory_space<vmem_shared>>) dst(%dma_wait3A_490 : memref<128x128xf32, #tpu.memory_space<vmem>>)
      tpu.yield
    }) : () -> ()
    %dma_start3A_292 = arith.constant 1 : i32
    %dma_start3A_293 = arith.constant 0 : i32
    %dma_start3A_294 = arith.constant 0 : i32
    %dma_start3A_295 = tpu.memref_slice %arg9[%dma_start3A_292, %dma_start3A_293, %dma_start3A_294] : memref<2x128x128xf32, #tpu.memory_space<vmem>> -> memref<1x128x128xf32, #tpu.memory_space<vmem>>
    %dma_start3A_296 = tpu.memref_squeeze %dma_start3A_295 : memref<1x128x128xf32, #tpu.memory_space<vmem>> -> memref<128x128xf32, #tpu.memory_space<vmem>>
    %dma_start3A_297 = arith.constant 0 : i32
    %dma_start3A_298 = tpu.memref_slice %arg4[%arg0, %add3A_290, %dma_start3A_297] : memref<2x10240x128xf32, #tpu.memory_space<hbm>> -> memref<1x128x128xf32, #tpu.memory_space<hbm>>
    %dma_start3A_299 = tpu.memref_squeeze %dma_start3A_298 : memref<1x128x128xf32, #tpu.memory_space<hbm>> -> memref<128x128xf32, #tpu.memory_space<hbm>>
    %dma_start3A_300 = arith.constant 0 : i32
    %dma_start3A_301 = tpu.memref_slice %arg4[%arg0, %add3A_290, %dma_start3A_300] : memref<2x10240x128xf32, #tpu.memory_space<hbm>> -> memref<1x128x128xf32, #tpu.memory_space<hbm>>
    %dma_start3A_302 = tpu.memref_squeeze %dma_start3A_301 : memref<1x128x128xf32, #tpu.memory_space<hbm>> -> memref<128x128xf32, #tpu.memory_space<hbm>>
    %dma_start3A_303 = arith.constant 0 : i32
    %dma_start3A_304 = arith.constant 0 : i32
    %dma_start3A_305 = tpu.memref_slice %arg9[%dma_start3A_292, %dma_start3A_303, %dma_start3A_304] : memref<2x128x128xf32, #tpu.memory_space<vmem>> -> memref<1x128x128xf32, #tpu.memory_space<vmem>>
    %dma_start3A_306 = tpu.memref_squeeze %dma_start3A_305 : memref<1x128x128xf32, #tpu.memory_space<vmem>> -> memref<128x128xf32, #tpu.memory_space<vmem>>
    tpu.enqueue_dma source(%dma_start3A_306 : memref<128x128xf32, #tpu.memory_space<vmem>>) target(%dma_start3A_302 : memref<128x128xf32, #tpu.memory_space<hbm>>) target_semaphore(%arg14 : memref<!tpu.dma_semaphore, #tpu.memory_space<semaphore_mem>>)
    %mul3A_307 = arith.constant 640 : i32
    %mul3A_308 = arith.muli %arg1, %mul3A_307 : i32
    %add3A_309 = arith.constant 256 : i32
    %add3A_310 = arith.addi %mul3A_308, %add3A_309 : i32
    %mul3A_311 = arith.constant 640 : i32
    %mul3A_312 = arith.muli %arg1, %mul3A_311 : i32
    %add3A_313 = arith.constant 0 : i32
    %add3A_314 = arith.addi %mul3A_312, %add3A_313 : i32
    %dma_wait3A_315 = arith.constant 0 : i32
    %dma_wait3A_316 = arith.constant 0 : i32
    %dma_wait3A_317 = arith.constant 0 : i32
    %dma_wait3A_318 = tpu.memref_slice %arg9[%dma_wait3A_315, %dma_wait3A_316, %dma_wait3A_317] : memref<2x128x128xf32, #tpu.memory_space<vmem>> -> memref<1x128x128xf32, #tpu.memory_space<vmem>>
    %dma_wait3A_319 = tpu.memref_squeeze %dma_wait3A_318 : memref<1x128x128xf32, #tpu.memory_space<vmem>> -> memref<128x128xf32, #tpu.memory_space<vmem>>
    %dma_wait3A_320 = arith.constant 0 : i32
    %dma_wait3A_321 = tpu.memref_slice %arg4[%arg0, %add3A_314, %dma_wait3A_320] : memref<2x10240x128xf32, #tpu.memory_space<hbm>> -> memref<1x128x128xf32, #tpu.memory_space<hbm>>
    %dma_wait3A_322 = tpu.memref_squeeze %dma_wait3A_321 : memref<1x128x128xf32, #tpu.memory_space<hbm>> -> memref<128x128xf32, #tpu.memory_space<hbm>>
    %dma_wait3A_323 = arith.constant 0 : i32
    %dma_wait3A_324 = tpu.memref_slice %arg4[%arg0, %add3A_314, %dma_wait3A_323] : memref<2x10240x128xf32, #tpu.memory_space<hbm>> -> memref<1x128x128xf32, #tpu.memory_space<hbm>>
    %dma_wait3A_325 = tpu.memref_squeeze %dma_wait3A_324 : memref<1x128x128xf32, #tpu.memory_space<hbm>> -> memref<128x128xf32, #tpu.memory_space<hbm>>
    %dma_wait3A_326 = arith.constant 0 : i32
    %dma_wait3A_327 = arith.constant 0 : i32
    %dma_wait3A_328 = tpu.memref_slice %arg9[%dma_wait3A_315, %dma_wait3A_326, %dma_wait3A_327] : memref<2x128x128xf32, #tpu.memory_space<vmem>> -> memref<1x128x128xf32, #tpu.memory_space<vmem>>
    %dma_wait3A_329 = tpu.memref_squeeze %dma_wait3A_328 : memref<1x128x128xf32, #tpu.memory_space<vmem>> -> memref<128x128xf32, #tpu.memory_space<vmem>>
    tpu.wait_dma2 semaphore(%arg13 : memref<!tpu.dma_semaphore, #tpu.memory_space<semaphore_mem>>) src(%dma_wait3A_329 : memref<128x128xf32, #tpu.memory_space<vmem>>) dst(%dma_wait3A_325 : memref<128x128xf32, #tpu.memory_space<hbm>>)
    %run_scoped3A_330 = arith.constant 0 : i32
    "tpu.region"() ({
      %run_scoped3A_468 = tpu.sem_alloc : memref<!tpu.dma_semaphore, #tpu.memory_space<semaphore_mem>>
      %dma_start3A_469 = arith.constant 0 : i32
      %dma_start3A_470 = arith.constant 0 : i32
      %dma_start3A_471 = tpu.memref_slice %arg9[%run_scoped3A_330, %dma_start3A_469, %dma_start3A_470] : memref<2x128x128xf32, #tpu.memory_space<vmem>> -> memref<1x128x128xf32, #tpu.memory_space<vmem>>
      %dma_start3A_472 = tpu.memref_squeeze %dma_start3A_471 : memref<1x128x128xf32, #tpu.memory_space<vmem>> -> memref<128x128xf32, #tpu.memory_space<vmem>>
      %dma_start3A_473 = arith.constant 0 : i32
      %dma_start3A_474 = tpu.memref_slice %arg6[%add3A_310, %dma_start3A_473] : memref<10240x128xf32, #tpu.memory_space<vmem_shared>> -> memref<128x128xf32, #tpu.memory_space<vmem_shared>>
      %dma_start3A_475 = arith.constant 0 : i32
      %dma_start3A_476 = arith.constant 0 : i32
      %dma_start3A_477 = tpu.memref_slice %arg9[%run_scoped3A_330, %dma_start3A_475, %dma_start3A_476] : memref<2x128x128xf32, #tpu.memory_space<vmem>> -> memref<1x128x128xf32, #tpu.memory_space<vmem>>
      %dma_start3A_478 = tpu.memref_squeeze %dma_start3A_477 : memref<1x128x128xf32, #tpu.memory_space<vmem>> -> memref<128x128xf32, #tpu.memory_space<vmem>>
      %dma_start3A_479 = arith.constant 0 : i32
      %dma_start3A_480 = tpu.memref_slice %arg6[%add3A_310, %dma_start3A_479] : memref<10240x128xf32, #tpu.memory_space<vmem_shared>> -> memref<128x128xf32, #tpu.memory_space<vmem_shared>>
      tpu.enqueue_dma source(%dma_start3A_480 : memref<128x128xf32, #tpu.memory_space<vmem_shared>>) target(%dma_start3A_478 : memref<128x128xf32, #tpu.memory_space<vmem>>) target_semaphore(%run_scoped3A_468 : memref<!tpu.dma_semaphore, #tpu.memory_space<semaphore_mem>>)
      %dma_wait3A_481 = arith.constant 0 : i32
      %dma_wait3A_482 = arith.constant 0 : i32
      %dma_wait3A_483 = tpu.memref_slice %arg9[%run_scoped3A_330, %dma_wait3A_481, %dma_wait3A_482] : memref<2x128x128xf32, #tpu.memory_space<vmem>> -> memref<1x128x128xf32, #tpu.memory_space<vmem>>
      %dma_wait3A_484 = tpu.memref_squeeze %dma_wait3A_483 : memref<1x128x128xf32, #tpu.memory_space<vmem>> -> memref<128x128xf32, #tpu.memory_space<vmem>>
      %dma_wait3A_485 = arith.constant 0 : i32
      %dma_wait3A_486 = tpu.memref_slice %arg6[%add3A_310, %dma_wait3A_485] : memref<10240x128xf32, #tpu.memory_space<vmem_shared>> -> memref<128x128xf32, #tpu.memory_space<vmem_shared>>
      %dma_wait3A_487 = arith.constant 0 : i32
      %dma_wait3A_488 = arith.constant 0 : i32
      %dma_wait3A_489 = tpu.memref_slice %arg9[%run_scoped3A_330, %dma_wait3A_487, %dma_wait3A_488] : memref<2x128x128xf32, #tpu.memory_space<vmem>> -> memref<1x128x128xf32, #tpu.memory_space<vmem>>
      %dma_wait3A_490 = tpu.memref_squeeze %dma_wait3A_489 : memref<1x128x128xf32, #tpu.memory_space<vmem>> -> memref<128x128xf32, #tpu.memory_space<vmem>>
      %dma_wait3A_491 = arith.constant 0 : i32
      %dma_wait3A_492 = tpu.memref_slice %arg6[%add3A_310, %dma_wait3A_491] : memref<10240x128xf32, #tpu.memory_space<vmem_shared>> -> memref<128x128xf32, #tpu.memory_space<vmem_shared>>
      tpu.wait_dma2 semaphore(%run_scoped3A_468 : memref<!tpu.dma_semaphore, #tpu.memory_space<semaphore_mem>>) src(%dma_wait3A_492 : memref<128x128xf32, #tpu.memory_space<vmem_shared>>) dst(%dma_wait3A_490 : memref<128x128xf32, #tpu.memory_space<vmem>>)
      tpu.yield
    }) : () -> ()
    %dma_start3A_331 = arith.constant 0 : i32
    %dma_start3A_332 = arith.constant 0 : i32
    %dma_start3A_333 = arith.constant 0 : i32
    %dma_start3A_334 = tpu.memref_slice %arg9[%dma_start3A_331, %dma_start3A_332, %dma_start3A_333] : memref<2x128x128xf32, #tpu.memory_space<vmem>> -> memref<1x128x128xf32, #tpu.memory_space<vmem>>
    %dma_start3A_335 = tpu.memref_squeeze %dma_start3A_334 : memref<1x128x128xf32, #tpu.memory_space<vmem>> -> memref<128x128xf32, #tpu.memory_space<vmem>>
    %dma_start3A_336 = arith.constant 0 : i32
    %dma_start3A_337 = tpu.memref_slice %arg4[%arg0, %add3A_310, %dma_start3A_336] : memref<2x10240x128xf32, #tpu.memory_space<hbm>> -> memref<1x128x128xf32, #tpu.memory_space<hbm>>
    %dma_start3A_338 = tpu.memref_squeeze %dma_start3A_337 : memref<1x128x128xf32, #tpu.memory_space<hbm>> -> memref<128x128xf32, #tpu.memory_space<hbm>>
    %dma_start3A_339 = arith.constant 0 : i32
    %dma_start3A_340 = tpu.memref_slice %arg4[%arg0, %add3A_310, %dma_start3A_339] : memref<2x10240x128xf32, #tpu.memory_space<hbm>> -> memref<1x128x128xf32, #tpu.memory_space<hbm>>
    %dma_start3A_341 = tpu.memref_squeeze %dma_start3A_340 : memref<1x128x128xf32, #tpu.memory_space<hbm>> -> memref<128x128xf32, #tpu.memory_space<hbm>>
    %dma_start3A_342 = arith.constant 0 : i32
    %dma_start3A_343 = arith.constant 0 : i32
    %dma_start3A_344 = tpu.memref_slice %arg9[%dma_start3A_331, %dma_start3A_342, %dma_start3A_343] : memref<2x128x128xf32, #tpu.memory_space<vmem>> -> memref<1x128x128xf32, #tpu.memory_space<vmem>>
    %dma_start3A_345 = tpu.memref_squeeze %dma_start3A_344 : memref<1x128x128xf32, #tpu.memory_space<vmem>> -> memref<128x128xf32, #tpu.memory_space<vmem>>
    tpu.enqueue_dma source(%dma_start3A_345 : memref<128x128xf32, #tpu.memory_space<vmem>>) target(%dma_start3A_341 : memref<128x128xf32, #tpu.memory_space<hbm>>) target_semaphore(%arg13 : memref<!tpu.dma_semaphore, #tpu.memory_space<semaphore_mem>>)
    %mul3A_346 = arith.constant 640 : i32
    %mul3A_347 = arith.muli %arg1, %mul3A_346 : i32
    %add3A_348 = arith.constant 384 : i32
    %add3A_349 = arith.addi %mul3A_347, %add3A_348 : i32
    %mul3A_350 = arith.constant 640 : i32
    %mul3A_351 = arith.muli %arg1, %mul3A_350 : i32
    %add3A_352 = arith.constant 128 : i32
    %add3A_353 = arith.addi %mul3A_351, %add3A_352 : i32
    %dma_wait3A_354 = arith.constant 1 : i32
    %dma_wait3A_355 = arith.constant 0 : i32
    %dma_wait3A_356 = arith.constant 0 : i32
    %dma_wait3A_357 = tpu.memref_slice %arg9[%dma_wait3A_354, %dma_wait3A_355, %dma_wait3A_356] : memref<2x128x128xf32, #tpu.memory_space<vmem>> -> memref<1x128x128xf32, #tpu.memory_space<vmem>>
    %dma_wait3A_358 = tpu.memref_squeeze %dma_wait3A_357 : memref<1x128x128xf32, #tpu.memory_space<vmem>> -> memref<128x128xf32, #tpu.memory_space<vmem>>
    %dma_wait3A_359 = arith.constant 0 : i32
    %dma_wait3A_360 = tpu.memref_slice %arg4[%arg0, %add3A_353, %dma_wait3A_359] : memref<2x10240x128xf32, #tpu.memory_space<hbm>> -> memref<1x128x128xf32, #tpu.memory_space<hbm>>
    %dma_wait3A_361 = tpu.memref_squeeze %dma_wait3A_360 : memref<1x128x128xf32, #tpu.memory_space<hbm>> -> memref<128x128xf32, #tpu.memory_space<hbm>>
    %dma_wait3A_362 = arith.constant 0 : i32
    %dma_wait3A_363 = tpu.memref_slice %arg4[%arg0, %add3A_353, %dma_wait3A_362] : memref<2x10240x128xf32, #tpu.memory_space<hbm>> -> memref<1x128x128xf32, #tpu.memory_space<hbm>>
    %dma_wait3A_364 = tpu.memref_squeeze %dma_wait3A_363 : memref<1x128x128xf32, #tpu.memory_space<hbm>> -> memref<128x128xf32, #tpu.memory_space<hbm>>
    %dma_wait3A_365 = arith.constant 0 : i32
    %dma_wait3A_366 = arith.constant 0 : i32
    %dma_wait3A_367 = tpu.memref_slice %arg9[%dma_wait3A_354, %dma_wait3A_365, %dma_wait3A_366] : memref<2x128x128xf32, #tpu.memory_space<vmem>> -> memref<1x128x128xf32, #tpu.memory_space<vmem>>
    %dma_wait3A_368 = tpu.memref_squeeze %dma_wait3A_367 : memref<1x128x128xf32, #tpu.memory_space<vmem>> -> memref<128x128xf32, #tpu.memory_space<vmem>>
    tpu.wait_dma2 semaphore(%arg14 : memref<!tpu.dma_semaphore, #tpu.memory_space<semaphore_mem>>) src(%dma_wait3A_368 : memref<128x128xf32, #tpu.memory_space<vmem>>) dst(%dma_wait3A_364 : memref<128x128xf32, #tpu.memory_space<hbm>>)
    %run_scoped3A_369 = arith.constant 1 : i32
    "tpu.region"() ({
      %run_scoped3A_468 = tpu.sem_alloc : memref<!tpu.dma_semaphore, #tpu.memory_space<semaphore_mem>>
      %dma_start3A_469 = arith.constant 0 : i32
      %dma_start3A_470 = arith.constant 0 : i32
      %dma_start3A_471 = tpu.memref_slice %arg9[%run_scoped3A_369, %dma_start3A_469, %dma_start3A_470] : memref<2x128x128xf32, #tpu.memory_space<vmem>> -> memref<1x128x128xf32, #tpu.memory_space<vmem>>
      %dma_start3A_472 = tpu.memref_squeeze %dma_start3A_471 : memref<1x128x128xf32, #tpu.memory_space<vmem>> -> memref<128x128xf32, #tpu.memory_space<vmem>>
      %dma_start3A_473 = arith.constant 0 : i32
      %dma_start3A_474 = tpu.memref_slice %arg6[%add3A_349, %dma_start3A_473] : memref<10240x128xf32, #tpu.memory_space<vmem_shared>> -> memref<128x128xf32, #tpu.memory_space<vmem_shared>>
      %dma_start3A_475 = arith.constant 0 : i32
      %dma_start3A_476 = arith.constant 0 : i32
      %dma_start3A_477 = tpu.memref_slice %arg9[%run_scoped3A_369, %dma_start3A_475, %dma_start3A_476] : memref<2x128x128xf32, #tpu.memory_space<vmem>> -> memref<1x128x128xf32, #tpu.memory_space<vmem>>
      %dma_start3A_478 = tpu.memref_squeeze %dma_start3A_477 : memref<1x128x128xf32, #tpu.memory_space<vmem>> -> memref<128x128xf32, #tpu.memory_space<vmem>>
      %dma_start3A_479 = arith.constant 0 : i32
      %dma_start3A_480 = tpu.memref_slice %arg6[%add3A_349, %dma_start3A_479] : memref<10240x128xf32, #tpu.memory_space<vmem_shared>> -> memref<128x128xf32, #tpu.memory_space<vmem_shared>>
      tpu.enqueue_dma source(%dma_start3A_480 : memref<128x128xf32, #tpu.memory_space<vmem_shared>>) target(%dma_start3A_478 : memref<128x128xf32, #tpu.memory_space<vmem>>) target_semaphore(%run_scoped3A_468 : memref<!tpu.dma_semaphore, #tpu.memory_space<semaphore_mem>>)
      %dma_wait3A_481 = arith.constant 0 : i32
      %dma_wait3A_482 = arith.constant 0 : i32
      %dma_wait3A_483 = tpu.memref_slice %arg9[%run_scoped3A_369, %dma_wait3A_481, %dma_wait3A_482] : memref<2x128x128xf32, #tpu.memory_space<vmem>> -> memref<1x128x128xf32, #tpu.memory_space<vmem>>
      %dma_wait3A_484 = tpu.memref_squeeze %dma_wait3A_483 : memref<1x128x128xf32, #tpu.memory_space<vmem>> -> memref<128x128xf32, #tpu.memory_space<vmem>>
      %dma_wait3A_485 = arith.constant 0 : i32
      %dma_wait3A_486 = tpu.memref_slice %arg6[%add3A_349, %dma_wait3A_485] : memref<10240x128xf32, #tpu.memory_space<vmem_shared>> -> memref<128x128xf32, #tpu.memory_space<vmem_shared>>
      %dma_wait3A_487 = arith.constant 0 : i32
      %dma_wait3A_488 = arith.constant 0 : i32
      %dma_wait3A_489 = tpu.memref_slice %arg9[%run_scoped3A_369, %dma_wait3A_487, %dma_wait3A_488] : memref<2x128x128xf32, #tpu.memory_space<vmem>> -> memref<1x128x128xf32, #tpu.memory_space<vmem>>
      %dma_wait3A_490 = tpu.memref_squeeze %dma_wait3A_489 : memref<1x128x128xf32, #tpu.memory_space<vmem>> -> memref<128x128xf32, #tpu.memory_space<vmem>>
      %dma_wait3A_491 = arith.constant 0 : i32
      %dma_wait3A_492 = tpu.memref_slice %arg6[%add3A_349, %dma_wait3A_491] : memref<10240x128xf32, #tpu.memory_space<vmem_shared>> -> memref<128x128xf32, #tpu.memory_space<vmem_shared>>
      tpu.wait_dma2 semaphore(%run_scoped3A_468 : memref<!tpu.dma_semaphore, #tpu.memory_space<semaphore_mem>>) src(%dma_wait3A_492 : memref<128x128xf32, #tpu.memory_space<vmem_shared>>) dst(%dma_wait3A_490 : memref<128x128xf32, #tpu.memory_space<vmem>>)
      tpu.yield
    }) : () -> ()
    %dma_start3A_370 = arith.constant 1 : i32
    %dma_start3A_371 = arith.constant 0 : i32
    %dma_start3A_372 = arith.constant 0 : i32
    %dma_start3A_373 = tpu.memref_slice %arg9[%dma_start3A_370, %dma_start3A_371, %dma_start3A_372] : memref<2x128x128xf32, #tpu.memory_space<vmem>> -> memref<1x128x128xf32, #tpu.memory_space<vmem>>
    %dma_start3A_374 = tpu.memref_squeeze %dma_start3A_373 : memref<1x128x128xf32, #tpu.memory_space<vmem>> -> memref<128x128xf32, #tpu.memory_space<vmem>>
    %dma_start3A_375 = arith.constant 0 : i32
    %dma_start3A_376 = tpu.memref_slice %arg4[%arg0, %add3A_349, %dma_start3A_375] : memref<2x10240x128xf32, #tpu.memory_space<hbm>> -> memref<1x128x128xf32, #tpu.memory_space<hbm>>
    %dma_start3A_377 = tpu.memref_squeeze %dma_start3A_376 : memref<1x128x128xf32, #tpu.memory_space<hbm>> -> memref<128x128xf32, #tpu.memory_space<hbm>>
    %dma_start3A_378 = arith.constant 0 : i32
    %dma_start3A_379 = tpu.memref_slice %arg4[%arg0, %add3A_349, %dma_start3A_378] : memref<2x10240x128xf32, #tpu.memory_space<hbm>> -> memref<1x128x128xf32, #tpu.memory_space<hbm>>
    %dma_start3A_380 = tpu.memref_squeeze %dma_start3A_379 : memref<1x128x128xf32, #tpu.memory_space<hbm>> -> memref<128x128xf32, #tpu.memory_space<hbm>>
    %dma_start3A_381 = arith.constant 0 : i32
    %dma_start3A_382 = arith.constant 0 : i32
    %dma_start3A_383 = tpu.memref_slice %arg9[%dma_start3A_370, %dma_start3A_381, %dma_start3A_382] : memref<2x128x128xf32, #tpu.memory_space<vmem>> -> memref<1x128x128xf32, #tpu.memory_space<vmem>>
    %dma_start3A_384 = tpu.memref_squeeze %dma_start3A_383 : memref<1x128x128xf32, #tpu.memory_space<vmem>> -> memref<128x128xf32, #tpu.memory_space<vmem>>
    tpu.enqueue_dma source(%dma_start3A_384 : memref<128x128xf32, #tpu.memory_space<vmem>>) target(%dma_start3A_380 : memref<128x128xf32, #tpu.memory_space<hbm>>) target_semaphore(%arg14 : memref<!tpu.dma_semaphore, #tpu.memory_space<semaphore_mem>>)
    %mul3A_385 = arith.constant 640 : i32
    %mul3A_386 = arith.muli %arg1, %mul3A_385 : i32
    %add3A_387 = arith.constant 512 : i32
    %add3A_388 = arith.addi %mul3A_386, %add3A_387 : i32
    %mul3A_389 = arith.constant 640 : i32
    %mul3A_390 = arith.muli %arg1, %mul3A_389 : i32
    %add3A_391 = arith.constant 256 : i32
    %add3A_392 = arith.addi %mul3A_390, %add3A_391 : i32
    %dma_wait3A_393 = arith.constant 0 : i32
    %dma_wait3A_394 = arith.constant 0 : i32
    %dma_wait3A_395 = arith.constant 0 : i32
    %dma_wait3A_396 = tpu.memref_slice %arg9[%dma_wait3A_393, %dma_wait3A_394, %dma_wait3A_395] : memref<2x128x128xf32, #tpu.memory_space<vmem>> -> memref<1x128x128xf32, #tpu.memory_space<vmem>>
    %dma_wait3A_397 = tpu.memref_squeeze %dma_wait3A_396 : memref<1x128x128xf32, #tpu.memory_space<vmem>> -> memref<128x128xf32, #tpu.memory_space<vmem>>
    %dma_wait3A_398 = arith.constant 0 : i32
    %dma_wait3A_399 = tpu.memref_slice %arg4[%arg0, %add3A_392, %dma_wait3A_398] : memref<2x10240x128xf32, #tpu.memory_space<hbm>> -> memref<1x128x128xf32, #tpu.memory_space<hbm>>
    %dma_wait3A_400 = tpu.memref_squeeze %dma_wait3A_399 : memref<1x128x128xf32, #tpu.memory_space<hbm>> -> memref<128x128xf32, #tpu.memory_space<hbm>>
    %dma_wait3A_401 = arith.constant 0 : i32
    %dma_wait3A_402 = tpu.memref_slice %arg4[%arg0, %add3A_392, %dma_wait3A_401] : memref<2x10240x128xf32, #tpu.memory_space<hbm>> -> memref<1x128x128xf32, #tpu.memory_space<hbm>>
    %dma_wait3A_403 = tpu.memref_squeeze %dma_wait3A_402 : memref<1x128x128xf32, #tpu.memory_space<hbm>> -> memref<128x128xf32, #tpu.memory_space<hbm>>
    %dma_wait3A_404 = arith.constant 0 : i32
    %dma_wait3A_405 = arith.constant 0 : i32
    %dma_wait3A_406 = tpu.memref_slice %arg9[%dma_wait3A_393, %dma_wait3A_404, %dma_wait3A_405] : memref<2x128x128xf32, #tpu.memory_space<vmem>> -> memref<1x128x128xf32, #tpu.memory_space<vmem>>
    %dma_wait3A_407 = tpu.memref_squeeze %dma_wait3A_406 : memref<1x128x128xf32, #tpu.memory_space<vmem>> -> memref<128x128xf32, #tpu.memory_space<vmem>>
    tpu.wait_dma2 semaphore(%arg13 : memref<!tpu.dma_semaphore, #tpu.memory_space<semaphore_mem>>) src(%dma_wait3A_407 : memref<128x128xf32, #tpu.memory_space<vmem>>) dst(%dma_wait3A_403 : memref<128x128xf32, #tpu.memory_space<hbm>>)
    %run_scoped3A_408 = arith.constant 0 : i32
    "tpu.region"() ({
      %run_scoped3A_468 = tpu.sem_alloc : memref<!tpu.dma_semaphore, #tpu.memory_space<semaphore_mem>>
      %dma_start3A_469 = arith.constant 0 : i32
      %dma_start3A_470 = arith.constant 0 : i32
      %dma_start3A_471 = tpu.memref_slice %arg9[%run_scoped3A_408, %dma_start3A_469, %dma_start3A_470] : memref<2x128x128xf32, #tpu.memory_space<vmem>> -> memref<1x128x128xf32, #tpu.memory_space<vmem>>
      %dma_start3A_472 = tpu.memref_squeeze %dma_start3A_471 : memref<1x128x128xf32, #tpu.memory_space<vmem>> -> memref<128x128xf32, #tpu.memory_space<vmem>>
      %dma_start3A_473 = arith.constant 0 : i32
      %dma_start3A_474 = tpu.memref_slice %arg6[%add3A_388, %dma_start3A_473] : memref<10240x128xf32, #tpu.memory_space<vmem_shared>> -> memref<128x128xf32, #tpu.memory_space<vmem_shared>>
      %dma_start3A_475 = arith.constant 0 : i32
      %dma_start3A_476 = arith.constant 0 : i32
      %dma_start3A_477 = tpu.memref_slice %arg9[%run_scoped3A_408, %dma_start3A_475, %dma_start3A_476] : memref<2x128x128xf32, #tpu.memory_space<vmem>> -> memref<1x128x128xf32, #tpu.memory_space<vmem>>
      %dma_start3A_478 = tpu.memref_squeeze %dma_start3A_477 : memref<1x128x128xf32, #tpu.memory_space<vmem>> -> memref<128x128xf32, #tpu.memory_space<vmem>>
      %dma_start3A_479 = arith.constant 0 : i32
      %dma_start3A_480 = tpu.memref_slice %arg6[%add3A_388, %dma_start3A_479] : memref<10240x128xf32, #tpu.memory_space<vmem_shared>> -> memref<128x128xf32, #tpu.memory_space<vmem_shared>>
      tpu.enqueue_dma source(%dma_start3A_480 : memref<128x128xf32, #tpu.memory_space<vmem_shared>>) target(%dma_start3A_478 : memref<128x128xf32, #tpu.memory_space<vmem>>) target_semaphore(%run_scoped3A_468 : memref<!tpu.dma_semaphore, #tpu.memory_space<semaphore_mem>>)
      %dma_wait3A_481 = arith.constant 0 : i32
      %dma_wait3A_482 = arith.constant 0 : i32
      %dma_wait3A_483 = tpu.memref_slice %arg9[%run_scoped3A_408, %dma_wait3A_481, %dma_wait3A_482] : memref<2x128x128xf32, #tpu.memory_space<vmem>> -> memref<1x128x128xf32, #tpu.memory_space<vmem>>
      %dma_wait3A_484 = tpu.memref_squeeze %dma_wait3A_483 : memref<1x128x128xf32, #tpu.memory_space<vmem>> -> memref<128x128xf32, #tpu.memory_space<vmem>>
      %dma_wait3A_485 = arith.constant 0 : i32
      %dma_wait3A_486 = tpu.memref_slice %arg6[%add3A_388, %dma_wait3A_485] : memref<10240x128xf32, #tpu.memory_space<vmem_shared>> -> memref<128x128xf32, #tpu.memory_space<vmem_shared>>
      %dma_wait3A_487 = arith.constant 0 : i32
      %dma_wait3A_488 = arith.constant 0 : i32
      %dma_wait3A_489 = tpu.memref_slice %arg9[%run_scoped3A_408, %dma_wait3A_487, %dma_wait3A_488] : memref<2x128x128xf32, #tpu.memory_space<vmem>> -> memref<1x128x128xf32, #tpu.memory_space<vmem>>
      %dma_wait3A_490 = tpu.memref_squeeze %dma_wait3A_489 : memref<1x128x128xf32, #tpu.memory_space<vmem>> -> memref<128x128xf32, #tpu.memory_space<vmem>>
      %dma_wait3A_491 = arith.constant 0 : i32
      %dma_wait3A_492 = tpu.memref_slice %arg6[%add3A_388, %dma_wait3A_491] : memref<10240x128xf32, #tpu.memory_space<vmem_shared>> -> memref<128x128xf32, #tpu.memory_space<vmem_shared>>
      tpu.wait_dma2 semaphore(%run_scoped3A_468 : memref<!tpu.dma_semaphore, #tpu.memory_space<semaphore_mem>>) src(%dma_wait3A_492 : memref<128x128xf32, #tpu.memory_space<vmem_shared>>) dst(%dma_wait3A_490 : memref<128x128xf32, #tpu.memory_space<vmem>>)
      tpu.yield
    }) : () -> ()
    %dma_start3A_409 = arith.constant 0 : i32
    %dma_start3A_410 = arith.constant 0 : i32
    %dma_start3A_411 = arith.constant 0 : i32
    %dma_start3A_412 = tpu.memref_slice %arg9[%dma_start3A_409, %dma_start3A_410, %dma_start3A_411] : memref<2x128x128xf32, #tpu.memory_space<vmem>> -> memref<1x128x128xf32, #tpu.memory_space<vmem>>
    %dma_start3A_413 = tpu.memref_squeeze %dma_start3A_412 : memref<1x128x128xf32, #tpu.memory_space<vmem>> -> memref<128x128xf32, #tpu.memory_space<vmem>>
    %dma_start3A_414 = arith.constant 0 : i32
    %dma_start3A_415 = tpu.memref_slice %arg4[%arg0, %add3A_388, %dma_start3A_414] : memref<2x10240x128xf32, #tpu.memory_space<hbm>> -> memref<1x128x128xf32, #tpu.memory_space<hbm>>
    %dma_start3A_416 = tpu.memref_squeeze %dma_start3A_415 : memref<1x128x128xf32, #tpu.memory_space<hbm>> -> memref<128x128xf32, #tpu.memory_space<hbm>>
    %dma_start3A_417 = arith.constant 0 : i32
    %dma_start3A_418 = tpu.memref_slice %arg4[%arg0, %add3A_388, %dma_start3A_417] : memref<2x10240x128xf32, #tpu.memory_space<hbm>> -> memref<1x128x128xf32, #tpu.memory_space<hbm>>
    %dma_start3A_419 = tpu.memref_squeeze %dma_start3A_418 : memref<1x128x128xf32, #tpu.memory_space<hbm>> -> memref<128x128xf32, #tpu.memory_space<hbm>>
    %dma_start3A_420 = arith.constant 0 : i32
    %dma_start3A_421 = arith.constant 0 : i32
    %dma_start3A_422 = tpu.memref_slice %arg9[%dma_start3A_409, %dma_start3A_420, %dma_start3A_421] : memref<2x128x128xf32, #tpu.memory_space<vmem>> -> memref<1x128x128xf32, #tpu.memory_space<vmem>>
    %dma_start3A_423 = tpu.memref_squeeze %dma_start3A_422 : memref<1x128x128xf32, #tpu.memory_space<vmem>> -> memref<128x128xf32, #tpu.memory_space<vmem>>
    tpu.enqueue_dma source(%dma_start3A_423 : memref<128x128xf32, #tpu.memory_space<vmem>>) target(%dma_start3A_419 : memref<128x128xf32, #tpu.memory_space<hbm>>) target_semaphore(%arg13 : memref<!tpu.dma_semaphore, #tpu.memory_space<semaphore_mem>>)
    %mul3A_424 = arith.constant 640 : i32
    %mul3A_425 = arith.muli %arg1, %mul3A_424 : i32
    %add3A_426 = arith.constant 384 : i32
    %add3A_427 = arith.addi %mul3A_425, %add3A_426 : i32
    %dma_wait3A_428 = arith.constant 1 : i32
    %dma_wait3A_429 = arith.constant 0 : i32
    %dma_wait3A_430 = arith.constant 0 : i32
    %dma_wait3A_431 = tpu.memref_slice %arg9[%dma_wait3A_428, %dma_wait3A_429, %dma_wait3A_430] : memref<2x128x128xf32, #tpu.memory_space<vmem>> -> memref<1x128x128xf32, #tpu.memory_space<vmem>>
    %dma_wait3A_432 = tpu.memref_squeeze %dma_wait3A_431 : memref<1x128x128xf32, #tpu.memory_space<vmem>> -> memref<128x128xf32, #tpu.memory_space<vmem>>
    %dma_wait3A_433 = arith.constant 0 : i32
    %dma_wait3A_434 = tpu.memref_slice %arg4[%arg0, %add3A_427, %dma_wait3A_433] : memref<2x10240x128xf32, #tpu.memory_space<hbm>> -> memref<1x128x128xf32, #tpu.memory_space<hbm>>
    %dma_wait3A_435 = tpu.memref_squeeze %dma_wait3A_434 : memref<1x128x128xf32, #tpu.memory_space<hbm>> -> memref<128x128xf32, #tpu.memory_space<hbm>>
    %dma_wait3A_436 = arith.constant 0 : i32
    %dma_wait3A_437 = tpu.memref_slice %arg4[%arg0, %add3A_427, %dma_wait3A_436] : memref<2x10240x128xf32, #tpu.memory_space<hbm>> -> memref<1x128x128xf32, #tpu.memory_space<hbm>>
    %dma_wait3A_438 = tpu.memref_squeeze %dma_wait3A_437 : memref<1x128x128xf32, #tpu.memory_space<hbm>> -> memref<128x128xf32, #tpu.memory_space<hbm>>
    %dma_wait3A_439 = arith.constant 0 : i32
    %dma_wait3A_440 = arith.constant 0 : i32
    %dma_wait3A_441 = tpu.memref_slice %arg9[%dma_wait3A_428, %dma_wait3A_439, %dma_wait3A_440] : memref<2x128x128xf32, #tpu.memory_space<vmem>> -> memref<1x128x128xf32, #tpu.memory_space<vmem>>
    %dma_wait3A_442 = tpu.memref_squeeze %dma_wait3A_441 : memref<1x128x128xf32, #tpu.memory_space<vmem>> -> memref<128x128xf32, #tpu.memory_space<vmem>>
    tpu.wait_dma2 semaphore(%arg14 : memref<!tpu.dma_semaphore, #tpu.memory_space<semaphore_mem>>) src(%dma_wait3A_442 : memref<128x128xf32, #tpu.memory_space<vmem>>) dst(%dma_wait3A_438 : memref<128x128xf32, #tpu.memory_space<hbm>>)
    %mul3A_443 = arith.constant 640 : i32
    %mul3A_444 = arith.muli %arg1, %mul3A_443 : i32
    %add3A_445 = arith.constant 512 : i32
    %add3A_446 = arith.addi %mul3A_444, %add3A_445 : i32
    %dma_wait3A_447 = arith.constant 0 : i32
    %dma_wait3A_448 = arith.constant 0 : i32
    %dma_wait3A_449 = arith.constant 0 : i32
    %dma_wait3A_450 = tpu.memref_slice %arg9[%dma_wait3A_447, %dma_wait3A_448, %dma_wait3A_449] : memref<2x128x128xf32, #tpu.memory_space<vmem>> -> memref<1x128x128xf32, #tpu.memory_space<vmem>>
    %dma_wait3A_451 = tpu.memref_squeeze %dma_wait3A_450 : memref<1x128x128xf32, #tpu.memory_space<vmem>> -> memref<128x128xf32, #tpu.memory_space<vmem>>
    %dma_wait3A_452 = arith.constant 0 : i32
    %dma_wait3A_453 = tpu.memref_slice %arg4[%arg0, %add3A_446, %dma_wait3A_452] : memref<2x10240x128xf32, #tpu.memory_space<hbm>> -> memref<1x128x128xf32, #tpu.memory_space<hbm>>
    %dma_wait3A_454 = tpu.memref_squeeze %dma_wait3A_453 : memref<1x128x128xf32, #tpu.memory_space<hbm>> -> memref<128x128xf32, #tpu.memory_space<hbm>>
    %dma_wait3A_455 = arith.constant 0 : i32
    %dma_wait3A_456 = tpu.memref_slice %arg4[%arg0, %add3A_446, %dma_wait3A_455] : memref<2x10240x128xf32, #tpu.memory_space<hbm>> -> memref<1x128x128xf32, #tpu.memory_space<hbm>>
    %dma_wait3A_457 = tpu.memref_squeeze %dma_wait3A_456 : memref<1x128x128xf32, #tpu.memory_space<hbm>> -> memref<128x128xf32, #tpu.memory_space<hbm>>
    %dma_wait3A_458 = arith.constant 0 : i32
    %dma_wait3A_459 = arith.constant 0 : i32
    %dma_wait3A_460 = tpu.memref_slice %arg9[%dma_wait3A_447, %dma_wait3A_458, %dma_wait3A_459] : memref<2x128x128xf32, #tpu.memory_space<vmem>> -> memref<1x128x128xf32, #tpu.memory_space<vmem>>
    %dma_wait3A_461 = tpu.memref_squeeze %dma_wait3A_460 : memref<1x128x128xf32, #tpu.memory_space<vmem>> -> memref<128x128xf32, #tpu.memory_space<vmem>>
    tpu.wait_dma2 semaphore(%arg13 : memref<!tpu.dma_semaphore, #tpu.memory_space<semaphore_mem>>) src(%dma_wait3A_461 : memref<128x128xf32, #tpu.memory_space<vmem>>) dst(%dma_wait3A_457 : memref<128x128xf32, #tpu.memory_space<hbm>>)
    %dma_wait3A_462 = arith.constant 0 : i32
    %dma_wait3A_463 = tpu.memref_slice %arg5[%add3A, %dma_wait3A_462] : memref<32x10240xf32, #tpu.memory_space<hbm>> -> memref<1x10240xf32, #tpu.memory_space<hbm>>
    %dma_wait3A_464 = tpu.memref_squeeze %dma_wait3A_463 : memref<1x10240xf32, #tpu.memory_space<hbm>> -> memref<10240xf32, #tpu.memory_space<hbm>>
    %dma_wait3A_465 = arith.constant 0 : i32
    %dma_wait3A_466 = tpu.memref_slice %arg5[%add3A, %dma_wait3A_465] : memref<32x10240xf32, #tpu.memory_space<hbm>> -> memref<1x10240xf32, #tpu.memory_space<hbm>>
    %dma_wait3A_467 = tpu.memref_squeeze %dma_wait3A_466 : memref<1x10240xf32, #tpu.memory_space<hbm>> -> memref<10240xf32, #tpu.memory_space<hbm>>
    tpu.wait_dma2 semaphore(%arg11 : memref<!tpu.dma_semaphore, #tpu.memory_space<semaphore_mem>>) src(%arg10 : memref<10240xf32, #tpu.memory_space<vmem>>) dst(%dma_wait3A_467 : memref<10240xf32, #tpu.memory_space<hbm>>)
    return
  }
}

module attributes {stable_mosaic.version = 14 : i64} {
  func.func @_finish_body(%arg0: i32, %arg1: memref<2x5120x128xf32, #tpu.memory_space<vmem>>, %arg2: memref<32x5120xf32, #tpu.memory_space<vmem>>, %arg3: memref<128x128xf32, #tpu.memory_space<vmem>>, %arg4: memref<1x128xf32, #tpu.memory_space<vmem>>, %arg5: memref<5120x128xf32, #tpu.memory_space<vmem>>) attributes {dimension_semantics = [#tpu.dimension_semantics<arbitrary>], iteration_bounds = array<i64: 2>, scalar_prefetch = 0 : i64, scratch_operands = 0 : i64, tpu.core_type = #tpu.core_type<tc>, window_params = [{transform_indices = @transform_0, window_bounds = array<i64: 2, 5120, 128>}, {transform_indices = @transform_1, window_bounds = array<i64: 32, 5120>}, {pipeline_mode = #tpu.pipeline_mode<synchronous>, transform_indices = @transform_2, window_bounds = array<i64: 128, 128>}, {pipeline_mode = #tpu.pipeline_mode<synchronous>, transform_indices = @transform_3, window_bounds = array<i64: 1, 128>}, {transform_indices = @transform_4, window_bounds = array<i64: 5120, 128>}]} {
    %get3A = arith.constant 0 : index
    %get3A_0 = arith.constant 0 : index
    %get3A_1 = arith.constant 0 : index
    %get3A_2 = vector.load %arg1[%get3A, %get3A_0, %get3A_1] : memref<2x5120x128xf32, #tpu.memory_space<vmem>>, vector<1x5120x128xf32>
    %get3A_3 = vector.shape_cast %get3A_2 : vector<1x5120x128xf32> to vector<5120x128xf32>
    %get3A_4 = arith.constant 1 : index
    %get3A_5 = arith.constant 0 : index
    %get3A_6 = arith.constant 0 : index
    %get3A_7 = vector.load %arg1[%get3A_4, %get3A_5, %get3A_6] : memref<2x5120x128xf32, #tpu.memory_space<vmem>>, vector<1x5120x128xf32>
    %get3A_8 = vector.shape_cast %get3A_7 : vector<1x5120x128xf32> to vector<5120x128xf32>
    %add3A = arith.addf %get3A_3, %get3A_8 : vector<5120x128xf32>
    %get3A_9 = arith.constant 0 : index
    %get3A_10 = arith.constant 0 : index
    %get3A_11 = vector.load %arg2[%get3A_9, %get3A_10] : memref<32x5120xf32, #tpu.memory_space<vmem>>, vector<32x5120xf32>
    %reduce_sum3A = arith.constant dense<0.000000e+00> : vector<5120xf32>
    %reduce_sum3A_12 = vector.multi_reduction <add>, %get3A_11, %reduce_sum3A [0] : vector<32x5120xf32> to vector<5120xf32>
    %broadcast_in_dim3A = vector.shape_cast %reduce_sum3A_12 : vector<5120xf32> to vector<5120x1xf32>
    %get3A_13 = arith.constant 0 : index
    %get3A_14 = arith.constant 0 : index
    %get3A_15 = vector.load %arg3[%get3A_13, %get3A_14] : memref<128x128xf32, #tpu.memory_space<vmem>>, vector<128x128xf32>
    %dot_general3A = arith.constant dense<0.000000e+00> : vector<5120x128xf32>
    %dot_general3A_16 = tpu.matmul %add3A, %get3A_15, %dot_general3A {dimension_numbers = #tpu.dot_dimension_numbers<[1], [0], [0], [1], [0, 0, 1, 1], [], []>, transpose_lhs_hint = false} : vector<5120x128xf32>, vector<128x128xf32>, vector<5120x128xf32> -> vector<5120x128xf32>
    %add3A_17 = arith.constant 1.000000e+00 : f32
    %add3A_18 = vector.broadcast %add3A_17 : f32 to vector<5120x1xf32>
    %add3A_19 = arith.addf %add3A_18, %broadcast_in_dim3A : vector<5120x1xf32>
    %rsqrt3A = math.rsqrt %add3A_19 : vector<5120x1xf32>
    %mul3A = vector.broadcast %rsqrt3A : vector<5120x1xf32> to vector<5120x128xf32>
    %mul3A_20 = arith.mulf %dot_general3A_16, %mul3A : vector<5120x128xf32>
    %get3A_21 = arith.constant 0 : index
    %get3A_22 = arith.constant 0 : index
    %get3A_23 = vector.load %arg4[%get3A_21, %get3A_22] : memref<1x128xf32, #tpu.memory_space<vmem>>, vector<1x128xf32>
    %add3A_24 = vector.broadcast %get3A_23 : vector<1x128xf32> to vector<5120x128xf32>
    %add3A_25 = arith.addf %mul3A_20, %add3A_24 : vector<5120x128xf32>
    %max3A = arith.constant 0.000000e+00 : f32
    %max3A_26 = vector.broadcast %max3A : f32 to vector<5120x128xf32>
    %max3A_27 = arith.maximumf %add3A_25, %max3A_26 : vector<5120x128xf32>
    %swap3A = arith.constant 0 : index
    %swap3A_28 = arith.constant 0 : index
    %swap3A_29 = vector.load %arg5[%swap3A, %swap3A_28] : memref<5120x128xf32, #tpu.memory_space<vmem>>, vector<5120x128xf32>
    tpu.vector_store %arg5[%swap3A, %swap3A_28], %max3A_27 {strides = array<i32>} : memref<5120x128xf32, #tpu.memory_space<vmem>>, vector<5120x128xf32>,
    return
  }
  func.func @transform_0(%arg0: i32) -> (i32, i32, i32) {
    %c0_i32 = arith.constant 0 : i32
    %c0_i32_0 = arith.constant 0 : i32
    %c0_i32_1 = arith.constant 0 : i32
    return %c0_i32, %arg0, %c0_i32_0 : i32, i32, i32
  }
  func.func @transform_1(%arg0: i32) -> (i32, i32) {
    %c0_i32 = arith.constant 0 : i32
    %c0_i32_0 = arith.constant 0 : i32
    return %c0_i32, %arg0 : i32, i32
  }
  func.func @transform_2(%arg0: i32) -> (i32, i32) {
    %c0_i32 = arith.constant 0 : i32
    %c0_i32_0 = arith.constant 0 : i32
    %c0_i32_1 = arith.constant 0 : i32
    return %c0_i32, %c0_i32_0 : i32, i32
  }
  func.func @transform_3(%arg0: i32) -> (i32, i32) {
    %c0_i32 = arith.constant 0 : i32
    %c0_i32_0 = arith.constant 0 : i32
    %c0_i32_1 = arith.constant 0 : i32
    return %c0_i32, %c0_i32_0 : i32, i32
  }
  func.func @transform_4(%arg0: i32) -> (i32, i32) {
    %c0_i32 = arith.constant 0 : i32
    %c0_i32_0 = arith.constant 0 : i32
    return %arg0, %c0_i32 : i32, i32
  }
}

</mosaic_0001>

<sc_bundles>
// kernel: kernel.4.cloned.1.call-start
scs
__scs_entry_jumppad:
0x0: {  	(pc) =	sbr.rel $0x88, $3  }
0x1: {  	(tag) =	ssettag $0x0;
	lr =	simm.s32 $0x1  }
0x2: {  	[smem:$0x3F9D] =	sst lr;
	_ =	strace $0xD0000000  }
0x3: {  	_ = 	snop  }
0x4: {  	_ = 	snop  }
0x5: {  	_ = 	snop  }
0x6: {  	_ = 	snop  }
0x7: {  	_ = 	snop  }
__scs_overlays_trampoline_lowered:
0x8: {  	[smem:$0x3FAC] =	sst s0  }
0x9: {  	[smem:$0x3FAD] =	sst s1  }
0xa: {  	[smem:$0x3FAE] =	sst s2  }
0xb: {  	[smem:$0x3FAF] =	sst s3  }
0xc: {  	[smem:$0x3FB0] =	sst s4  }
0xd: {  	[smem:$0x3FB1] =	sst s5  }
0xe: {  	[smem:$0x3FB2] =	sst s6  }
0xf: {  	[smem:$0x3FB3] =	sst s7  }
0x10: {  	[smem:$0x3FB4] =	sst s8  }
0x11: {  	[smem:$0x3FB5] =	sst s9;
	s0 =	simm.s32 @!p0 $0x0  }
0x12: {  	s1 =	sld [smem:$0x3F9B];
	s0 =	simm.s32 @p0 $0x1  }
0x13: {  	[smem:$0x3FB6] =	sst s0;
	s0 =	simm.s32 @!p1 $0x0  }
0x14: {  	s2 =	sld [smem:$0x3F9A];
	s0 =	simm.s32 @p1 $0x1  }
0x15: {  	[smem:$0x3FB7] =	sst s0;
	s0 =	simm.s32 @!p2 $0x0  }
0x16: {  	s3 =	sld [smem:$0x3FDB];
	s0 =	simm.s32 @p2 $0x1  }
0x17: {  	s4 =	simm.s32 $0x1BF5;
	[smem:$0x3FB9] =	sst s0  }
0x18: {  	s0 =	sld [smem:$0x3F9C];
	_ =	swait.ge [sflag:s4], $0x0  }
0x19: {  	s7 =	sld [smem:$0x3F9D]  }
0x1a: {  	s8 =	sadd.s32 $0xFFFFE003, lr  }
0x1b: {  	s9 =	sadd.s32 $0xFFFFFEF7, lr;
	s5 =	simm.s32 $0xFFFFFFFF;
	p2 =	slt.u32 s8, $0xFFFFF086  }
0x1c: {  	p1 =	slt.u32 s9, $0xF7A;
	s5 =	simm.s32 @!p2 $0x0  }
0x1d: {  	s5 =	simm.s32 @p1 $0x1;
	p0 =	seq.s32 s7, s2  }
0x1e: {  	s7 =	smul.u32 @!p0 $0xF7A, s2;
	p2 =	seq.s32 @!p0 s5, $0x0  }
0x1f: {  	s9 =	smul.u32 $0xF7A, s1;
	s8 =	simm.s32 @!p0 $0x1BF5;
	p2 =	por !p2, p0  }
0x20: {  	[sflag:s8] =	ssyncset.s32 @!p0 $0xFFFFF086;
	s6 =	sadd.s32 @!p0 s3, s7;
	s7 =	simm.s32 @!p0 $0x108  }
0x21: {  	s3 =	sadd.s32 s3, s9;
	s6 =	sadd.s32 @!p0 $0x88, s6;
	s7 =	simm.s32 @p2 $0x1082  }
0x22: {  	[simem:s7], [sflag:s8] =	dma.local @!p0 [hbm:s6], $0xF7A  }
0x23: {  	s9 =	sor.u32 $0xD0000000, s2;
	s6 =	simm.s32 $0x108;
	_ =	swait.ge @!p0 [sflag:s8], $0x0  }
0x24: {  	s3 =	sadd.s32 $0x88, s3;
	s6 =	simm.s32 @!p1 $0x1082;
	[sflag:s4] =	ssyncset.s32 $0xFFFFF086  }
0x25: {  	[simem:s6], [sflag:s4] =	dma.local [hbm:s3], $0xF7A  }
0x26: {  	[smem:$0x3F9D] =	sst s1;
	(tag) =	ssettag s2;
	_ =	strace s9  }
0x27: {  	s1 =	sld [smem:$0x3FAD]  }
0x28: {  	s2 =	sld [smem:$0x3FAE]  }
0x29: {  	s4 =	sld [smem:$0x3FB0]  }
0x2a: {  	p0 =	seq.s32 s5, $0x0;
	s5 =	sld [smem:$0x3FB1]  }
0x2b: {  	s6 =	sld [smem:$0x3FB2]  }
0x2c: {  	s7 =	sld [smem:$0x3FB3]  }
0x2d: {  	s3 =	simm.s32 $0x108;
	s8 =	sld [smem:$0x3FB4]  }
0x2e: {  	s3 =	simm.s32 @!p0 $0x1082;
	s9 =	sld [smem:$0x3FB5]  }
0x2f: {  	lr =	sadd.s32 s0, s3;
	s0 =	sld [smem:$0x3FAC]  }
0x30: {  	s3 =	sld [smem:$0x3FAF]  }
0x31: {  	[smem:$0x3FB8] =	sst s10  }
0x32: {  	s10 =	sld [smem:$0x3FB6];
	_ =	sdelay $0x3  }
0x33: {  	p0 =	seq.s32 s10, $0x1;
	s10 =	sld [smem:$0x3FB8];
	_ =	sdelay $0x3  }
0x34: {  	[smem:$0x3FB8] =	sst s10  }
0x35: {  	s10 =	sld [smem:$0x3FB7];
	_ =	sdelay $0x3  }
0x36: {  	p1 =	seq.s32 s10, $0x1;
	s10 =	sld [smem:$0x3FB8];
	_ =	sdelay $0x3  }
0x37: {  	[smem:$0x3FB8] =	sst s10  }
0x38: {  	s10 =	sld [smem:$0x3FB9]  }
0x39: {  	_ = 	snop;
	(pc) =	sbr.ind lr, $3  }
0x3a: {  	_ = 	snop  }
0x3b: {  	_ = 	snop  }
0x3c: {  	p2 =	seq.s32 s10, $0x1;
	s10 =	sld [smem:$0x3FB8]  }
0x3d: {  	_ =	shalt  }
0x3e: {  	_ =	shalt  }
0x3f: {  	_ =	shalt  }
0x40: {  	_ =	shalt  }
0x41: {  	_ =	shalt  }
0x42: {  	_ =	shalt  }
0x43: {  	_ =	shalt  }
0x44: {  	_ =	shalt  }
0x45: {  	_ =	shalt  }
0x46: {  	_ =	shalt  }
0x47: {  	_ =	shalt  }
0x48: {  	_ =	shalt  }
0x49: {  	_ =	shalt  }
0x4a: {  	_ =	shalt  }
0x4b: {  	_ =	shalt  }
0x4c: {  	_ =	shalt  }
0x4d: {  	_ =	shalt  }
0x4e: {  	_ =	shalt  }
0x4f: {  	_ =	shalt  }
0x50: {  	_ =	shalt  }
0x51: {  	_ =	shalt  }
0x52: {  	_ =	shalt  }
0x53: {  	_ =	shalt  }
0x54: {  	_ =	shalt  }
0x55: {  	_ =	shalt  }
0x56: {  	_ =	shalt  }
0x57: {  	_ =	shalt  }
0x58: {  	_ =	shalt  }
0x59: {  	_ =	shalt  }
0x5a: {  	_ =	shalt  }
0x5b: {  	_ =	shalt  }
0x5c: {  	_ =	shalt  }
0x5d: {  	_ =	shalt  }
0x5e: {  	_ =	shalt  }
0x5f: {  	_ =	shalt  }
0x60: {  	_ =	shalt  }
0x61: {  	_ =	shalt  }
0x62: {  	_ =	shalt  }
0x63: {  	_ =	shalt  }
0x64: {  	_ =	shalt  }
0x65: {  	_ =	shalt  }
0x66: {  	_ =	shalt  }
0x67: {  	_ =	shalt  }
0x68: {  	_ =	shalt  }
0x69: {  	_ =	shalt  }
0x6a: {  	_ =	shalt  }
0x6b: {  	_ =	shalt  }
0x6c: {  	_ =	shalt  }
0x6d: {  	_ =	shalt  }
0x6e: {  	_ =	shalt  }
0x6f: {  	_ =	shalt  }
0x70: {  	_ =	shalt  }
0x71: {  	_ =	shalt  }
0x72: {  	_ =	shalt  }
0x73: {  	_ =	shalt  }
0x74: {  	_ =	shalt  }
0x75: {  	_ =	shalt  }
0x76: {  	_ =	shalt  }
0x77: {  	_ =	shalt  }
0x78: {  	_ =	shalt  }
0x79: {  	_ =	shalt  }
0x7a: {  	_ =	shalt  }
0x7b: {  	_ =	shalt  }
0x7c: {  	_ =	shalt  }
0x7d: {  	_ =	shalt  }
0x7e: {  	_ =	shalt  }
0x7f: {  	_ =	shalt  }
0x80: {  	_ =	shalt  }
0x81: {  	_ =	shalt  }
0x82: {  	_ =	shalt  }
0x83: {  	_ =	shalt  }
0x84: {  	_ =	shalt  }
0x85: {  	_ =	shalt  }
0x86: {  	_ =	shalt  }
0x87: {  	_ =	shalt  }
.Lfunc_end0:
.L_simem_size_0:
called_computation_lowered:
.L_overlay_start_0:
0x88: {  	s2 =	sld [smem:$0x3FD9]  }
0x89: {  	s3 =	sld [smem:$0x3FFE];
	_ =	sdelay $0x1  }
0x8a: {  	s1 =	srdreg.scid  }
0x8b: {  	s0 =	sand.u32 $0x1, s1  }
0x8c: {  	s17 =	sshll.u32 s0, $0xA;
	s2 =	sadd.s32 s3, s2  }
0x8d: {  	s2 =	sadd.s32 s2, s17  }
0x8e: {  	[smem:$0x3FC4] =	sst s2  }
0x8f: {  	_ = 	snop  }
0x90: {  	s2 =	sld [smem:$0x3FC9]  }
0x91: {  	s18 =	sld [smem:$0x3FC8]  }
0x92: {  	s4 =	sld [smem:$0x3FD0];
	(tm) =	ssettm $0x1  }
0x93: {  	s5 =	sld [smem:$0x3FFB];
	_ =	sdelay $0x3  }
0x94: {  	_ =	strace s5  }
0x95: {  	s5 =	sld [smem:$0x3FFC];
	_ =	sdelay $0x3  }
0x96: {  	_ =	strace s5  }
0x97: {  	s5 =	sld [smem:$0x3FFD];
	_ =	sdelay $0x3  }
0x98: {  	_ =	strace s5  }
0x99: {  	_ =	strace $0x8FFFFFFF  }
0x9a: {  	s19 =	sld [smem:$0x3FDB];
	_ =	sdelay $0x1  }
0x9b: {  	s6 =	simm.s32 $_scs_section_size  }
0x9c: {  	s7 =	simm.s32 $_size__tile_overlayer_lowered;
	s8 =	simm.s32 $_tile_overlayer_lowered  }
0x9d: {  	s22 =	simm.s32 $0x1BFF;
	s21 =	sshll.u32 s8, $0x1;
	s5 =	sadd.s32 s6, s19  }
0x9e: {  	s9 =	simm.s32 $0x0;
	s20 =	sshll.u32 s7, $0x1;
	s7 =	sadd.s32 s21, s5  }
0x9f: {  	[timem:s9], [sflag:s22] =	dma.local [hbm:s7], s20  }
0xa0: {  	_ =	swait.ge [sflag:s22], s20  }
0xa1: {  	s6 =	ssub.s32 $0x0, s20;
	[sflag:s22] =	ssyncset.done $0x0  }
0xa2: {  	[sflag:s22] =	ssyncadd.s32 s6;
	_ =	sdelay $0x1  }
0xa3: {  	s23 =	simm.s32 $0x1B8B  }
0xa4: {  	_ =	swait.ge [sflag:s23], $0x1  }
0xa5: {  	[sflag:s23] =	ssyncset.done $0x0  }
0xa6: {  	s25 =	simm.s32 $0x1B8E;
	s24 =	sld [smem:$0x3FFE];
	[sflag:s23] =	ssyncadd.s32 $0xFFFFFFFF  }
0xa7: {  	s26 =	simm.s32 $execute0_lowered;
	[smem:$0x3FD2] =	sst s25  }
0xa8: {  	s7 =	sshll.u32 s26, $0x1;
	_ =	strace $0x80000046;
	[dreg:$0x1] =	wrdreg $0xFFFFFFFF  }
0xa9: {  	s28 =	simm.s32 $_size_execute0_lowered;
	s5 =	sadd.s32 s5, s7;
	[dreg:$0x0] =	wrdreg $0x0  }
0xaa: {  	s7 =	sshll.u32 s28, $0x1;
	[dreg:$0x2] =	wrdreg s5  }
0xab: {  	[dreg:$0x3] =	wrdreg s7  }
0xac: {  	[dreg:$0x4] =	wrdreg $0xC0  }
0xad: {  	_ =	task [dreg:s9], $0x5FFFF  }
0xae: {  	[dreg:$0x1] =	wrdreg $0xFFFFFFFF  }
0xaf: {  	[dreg:$0x0] =	wrdreg $0x60  }
0xb0: {  	[dreg:$0x2] =	wrdreg s2  }
0xb1: {  	[dreg:$0x3] =	wrdreg s18  }
0xb2: {  	[dreg:$0x4] =	wrdreg s24  }
0xb3: {  	[dreg:$0x5] =	wrdreg s4  }
0xb4: {  	[dreg:$0x6] =	wrdreg $0x0  }
0xb5: {  	[dreg:$0x7] =	wrdreg $0x9  }
0xb6: {  	_ =	task.clear_ibuf [dreg:s9], $0x8FFFF;
	_ =	strace $0x90000046  }
0xb7: {  	s29 =	simm.s32 $0x9;
	_ =	strace $0x80000048  }
0xb8: {  	_ =	swait.ge [sflag:s29], $0x1  }
0xb9: {  	[sflag:s29] =	ssyncadd.s32 $0xFFFFFFFF  }
0xba: {  	_ =	strace $0x90000048  }
0xbb: {  	_ =	sfence  }
0xbc: {  	s30 =	sld [smem:$0x0];
	_ =	sdelay $0x2  }
0xbd: {  	s31 =	sshll.u32 s1, $0xD;
	s1 =	sshrl.u32 s1, $0x2  }
0xbe: {  	s3 =	sand.u32 $0x4000, s31;
	s1 =	sadd.s32 s1, s30  }
0xbf: {  	s0 =	sor.u32 s3, s0;
	s1 =	sshll.u32 s1, $0x11  }
0xc0: {  	s0 =	sor.u32 s1, s0  }
0xc1: {  	s0 =	sadd.s32 $0x8F2B, s0  }
0xc2: {  	[sflag:s0] =	ssyncadd.remote.s32 $0x1  }
0xc3: {  	_ =	sfence.sel $0xFFFF  }
0xc4: {  	[dreg:$0x0] =	wrdreg $0xFFFFFFFF;
	(pc) =	sbr.abs _section_cstart, $3  }
0xc5: {  	[dreg:$0x1] =	wrdreg $0xFFFFFFFF  }
0xc6: {  	_ =	task.clear_ibuf [dreg:s9], $0x2FFFF;
	_ =	strace $0x9FFFFFFF  }
0xc7: {  	(tm) =	ssettm $0x7FFFFFFF  }
tec
execute0_lowered:
.L_overlay_start_1:
0x0: {  	(tag) =	ssettag $0x1  }
0x1: {  	s1 =	rddreg [dreg:$0x0]  }
0x2: {  	s0 =	rddreg [dreg:$0x1]  }
0x3: {  	s3 =	rddreg [dreg:$0x2]  }
0x4: {  	s5 =	rddreg [dreg:$0x3]  }
0x5: {  	s2 =	rddreg [dreg:$0x4];
	s4 =	simm.s32 $0x0;
	s6 =	srdreg.scid  }
0x6: {  	s12 =	stileid.u32;
	s28 =	simm.s32 $0x1;
	s29 =	simm.s32 $0x80  }
0x7: {  	s30 =	simm.s32 $0x18200;
	s31 =	simm.s32 $0x4;
	[smem:$0x7FF] =	sst s4  }
0x8: {  	s22 =	sand.u32 $0x1, s6;
	s7 =	smul.u32 $0x50000, s12;
	s3 =	sadd.s32 $0x1000, s3  }
0x9: {  	s15 =	smul.u32 $0x14000, s12;
	s16 =	sshll.u32 s12, $0x1;
	s10 =	sshrl.u32 s12, $0x2  }
0xa: {  	_ =	strace $0x80000047;
	s6 =	ssub.s32 $0x2, s22;
	s13 =	smul.u32 $0x14000, s10  }
0xb: {  	s14 =	sor.u32 s22, s16;
	s23 =	smul.u32 $0x140000, s22;
	s8 =	sshrl.u32 s6, $0x1  }
0xc: {  	s7 =	sshrl.u32 s7, $0x2;
	s16 =	sadd.s32 $0x4000, s15;
	s18 =	sadd.s32 $0x8000, s15  }
0xd: {  	s19 =	sadd.s32 $0xC000, s15;
	s20 =	sadd.s32 $0x10000, s15;
	s11 =	sshll.u32 s14, $0x7  }
0xe: {  	[dreg:$0x6] =	wrdreg s14;
	s14 =	sshll.u32 s14, $0x5;
	s21 =	ssub.s32 s6, s8  }
0xf: {  	s6 =	sadd.s32 s7, s2;
	s7 =	sadd.s32 s16, s2;
	s8 =	sadd.s32 s18, s2  }
0x10: {  	s9 =	sadd.s32 s19, s2;
	s10 =	sadd.s32 s20, s2;
	s17 =	sand.u32 $0x380, s11  }
0x11: {  	s11 =	sadd.s32 s0, s14;
	s26 =	sadd.s32 s15, s23;
	s16 =	sadd.s32 s23, s16  }
0x12: {  	s18 =	sadd.s32 s23, s18;
	s19 =	sadd.s32 s23, s19;
	s20 =	sadd.s32 s23, s20  }
0x13: {  	s23 =	simm.s32 $0x14200;
	s17 =	sor.u32 s13, s17;
	s24 =	sadd.s32 $0x10, s11  }
0x14: {  	s25 =	sadd.s32 $0x400, s11;
	s15 =	sshrl.u32 s16, $0x3;
	[dreg:$0x7] =	wrdreg s24  }
0x15: {  	s20 =	sshrl.u32 s20, $0x3;
	s21 =	smax.u32 s21, $0x1;
	[dreg:$0x8] =	wrdreg s25  }
0x16: {  	s14 =	sshrl.u32 s17, $0x3;
	s17 =	sadd.s32 s3, s15;
	s24 =	sshrl.u32 s19, $0x3  }
0x17: {  	s20 =	sadd.s32 s3, s20;
	s25 =	sshll.u32 s12, $0x6;
	s5 =	sadd.s32 s5, s14  }
0x18: {  	s14 =	sadd.s32 $0x410, s11;
	s19 =	sadd.s32 s3, s24;
	s0 =	sadd.s32 s25, s0  }
0x19: {  	s24 =	simm.s32 $0x3;
	s25 =	simm.s32 $0x14000;
	[dreg:$0x9] =	wrdreg s5  }
0x1a: {  	[dreg:$0xa] =	wrdreg s14;
	s5 =	sshrl.u32 s26, $0x3;
	s26 =	sshll.u32 s22, $0x5  }
0x1b: {  	s16 =	sadd.s32 s3, s5;
	s5 =	sshrl.u32 s18, $0x3;
	s22 =	sadd.s32 s26, s0  }
0x1c: {  	v0 =	vimm.f32 $0.0e+00;
	s26 =	simm.s32 $0x5;
	s0 =	simm.s32 $0x0;
	s18 =	sadd.s32 s3, s5  }
.LBB2_1:
0x1d: {  	s3 =	simm.s32 $0x0;
	s5 =	simm.s32 $0x200  }
.LBB2_2:
0x1e: {  	p0 =	sne.s32 s5, $0xFE00;
	[tilespmem:s3+$0x14270] =	vst v0  }
0x1f: {  	[tilespmem:s3+$0x14200] =	vst v0  }
0x20: {  	[tilespmem:s3+$0x14210] =	vst v0  }
.Ltmp0:
0x21: {  	[tilespmem:s3+$0x14220] =	vst v0;
	(pc) =	sbr.rel @p0 .LBB2_2-.Ltmp0, $4  }
0x22: {  	[tilespmem:s3+$0x14230] =	vst v0  }
0x23: {  	[tilespmem:s3+$0x14240] =	vst v0  }
0x24: {  	[tilespmem:s3+$0x14250] =	vst v0  }
0x25: {  	[tilespmem:s3+$0x14260] =	vst v0;
	s3 =	sshra.s32 s5, $0x2;
	s5 =	sadd.s32 $0x200, s5  }
0x26: {  	[tilespmem:s3+$0x14270] =	vst v0  }
0x27: {  	[tilespmem:s3+$0x14200] =	vst v0  }
0x28: {  	[tilespmem:s3+$0x14210] =	vst v0  }
0x29: {  	[tilespmem:s3+$0x14220] =	vst v0  }
0x2a: {  	[tilespmem:s3+$0x14230] =	vst v0  }
0x2b: {  	[tilespmem:s3+$0x14240] =	vst v0  }
0x2c: {  	[tilespmem:s3+$0x14250] =	vst v0  }
0x2d: {  	[tilespmem:s3+$0x14260] =	vst v0;
	s5 =	simm.s32 $0x100;
	s3 =	simm.s32 $0x0  }
.LBB2_4:
0x2e: {  	p0 =	sne.s32 s5, $0x9F00;
	[tilespmem:s3+$0x1C230] =	vst v0;
	s13 =	smov.u32 s5;
	s5 =	sadd.s32 $0x100, s5  }
.Ltmp1:
0x2f: {  	[tilespmem:s3+$0x1C220] =	vst v0;
	(pc) =	sbr.rel @p0 .LBB2_4-.Ltmp1, $3  }
0x30: {  	[tilespmem:s3+$0x1C200] =	vst v0  }
0x31: {  	[tilespmem:s3+$0x1C210] =	vst v0;
	_ =	sdelay $0x1  }
0x32: {  	s3 =	sshra.s32 s13, $0x2  }
0x33: {  	[tilespmem:s3+$0x1C230] =	vst v0  }
0x34: {  	[tilespmem:s3+$0x1C220] =	vst v0  }
0x35: {  	[tilespmem:s3+$0x1C200] =	vst v0  }
0x36: {  	[tilespmem:s3+$0x1C210] =	vst v0  }
0x37: {  	[spmem:s6] =	stream.linear.scatter [tilespmem:s23], [sflag:$0x3], $0x4000, $0x38;
	[tilespmem:$0x1EA00] =	vst v63  }
0x38: {  	_ = 	snop  }
0x39: {  	[spmem:s7] =	stream.linear.scatter [tilespmem:s23], [sflag:$0x3], $0x4000, $0x38;
	[tilespmem:$0x1EA00] =	vst v63  }
0x3a: {  	_ = 	snop  }
0x3b: {  	[spmem:s8] =	stream.linear.scatter [tilespmem:s23], [sflag:$0x3], $0x4000, $0x38;
	[tilespmem:$0x1EA00] =	vst v63  }
0x3c: {  	_ = 	snop  }
0x3d: {  	[spmem:s9] =	stream.linear.scatter [tilespmem:s23], [sflag:$0x3], $0x4000, $0x38;
	[tilespmem:$0x1EA00] =	vst v63  }
0x3e: {  	_ = 	snop  }
0x3f: {  	[spmem:s10] =	stream.linear.scatter [tilespmem:s23], [sflag:$0x3], $0x4000, $0x38;
	[tilespmem:$0x1EA00] =	vst v63  }
0x40: {  	_ =	swait.ge [sflag:s24], $0x4000  }
0x41: {  	[sflag:s24] =	ssyncset.done $0x0  }
0x42: {  	[sflag:s24] =	ssyncadd.s32 $0xFFFFC000  }
0x43: {  	_ =	swait.ge [sflag:s24], $0x4000  }
0x44: {  	[sflag:s24] =	ssyncset.done $0x0  }
0x45: {  	[sflag:s24] =	ssyncadd.s32 $0xFFFFC000  }
0x46: {  	_ =	swait.ge [sflag:s24], $0x4000  }
0x47: {  	[sflag:s24] =	ssyncset.done $0x0  }
0x48: {  	[sflag:s24] =	ssyncadd.s32 $0xFFFFC000  }
0x49: {  	_ =	swait.ge [sflag:s24], $0x4000  }
0x4a: {  	[sflag:s24] =	ssyncset.done $0x0  }
0x4b: {  	[sflag:s24] =	ssyncadd.s32 $0xFFFFC000  }
0x4c: {  	_ =	swait.ge [sflag:s24], $0x4000  }
0x4d: {  	[sflag:s24] =	ssyncset.done $0x0  }
0x4e: {  	[sflag:s24] =	ssyncadd.s32 $0xFFFFC000  }
0x4f: {  	s3 =	simm.s32 $0x0;
	[bflag:$0x0] =	sbarrier.arrive $0xFFFF  }
0x50: {  	[tilespmem:s25], [sflag:$0x1] =	stream.linear.gather [hbm4b:s11+s3], $0x80, $0x38;
	[tilespmem:$0x1EA00] =	vst v63  }
0x51: {  	s12 =	simm.s32 $0x14100;
	s5 =	rddreg [dreg:$0x7]  }
0x52: {  	[tilespmem:s12], [sflag:$0x1] =	stream.linear.gather [hbm4b:s5+s3], $0x80, $0x38;
	[tilespmem:$0x1EA00] =	vst v63  }
0x53: {  	_ =	swait.ge [sflag:s28], $0x80  }
0x54: {  	[sflag:s28] =	ssyncset.done $0x0  }
0x55: {  	[sflag:s28] =	ssyncadd.s32 $0xFFFFFF80  }
0x56: {  	_ =	swait.ge [sflag:s28], $0x80  }
0x57: {  	[sflag:s28] =	ssyncset.done $0x0  }
0x58: {  	s12 =	rddreg [dreg:$0x8];
	[sflag:s28] =	ssyncadd.s32 $0xFFFFFF80  }
0x59: {  	[tilespmem:s23], [sflag:$0x3] =	stream.indirect.gather [hbm4b:s1+s29], $0x80, s25, s29, $0xb8;
	[tilespmem:$0x1EA00] =	vst v63  }
0x5a: {  	s13 =	simm.s32 $0x14080;
	s14 =	rddreg [dreg:$0xa]  }
0x5b: {  	[tilespmem:s13], [sflag:$0x2] =	stream.linear.gather [hbm4b:s12+s3], $0x80, $0x38;
	[tilespmem:$0x1EA00] =	vst v63  }
0x5c: {  	s15 =	simm.s32 $0x14180;
	s5 =	rddreg [dreg:$0x6]  }
0x5d: {  	[tilespmem:s15], [sflag:$0x2] =	stream.linear.gather [hbm4b:s14+s3], $0x80, $0x38;
	[tilespmem:$0x1EA00] =	vst v63  }
.LBB2_6:
0x5e: {  	p0 =	sgt.u32 s5, $0x9C3  }
0x5f: {  	p1 =	sgt.u32 @!p0 s5, $0x9A3  }
0x60: {  	p1 =	por p1, p0  }
0x61: {  	s13 =	simm.s32 @!p1 $0x2  }
0x62: {  	_ =	swait.ge @!p1 [sflag:s13], $0x80  }
0x63: {  	[sflag:s13] =	ssyncset.done @!p1 $0x0  }
0x64: {  	[sflag:s13] =	ssyncadd.s32 @!p1 $0xFFFFFF80  }
0x65: {  	_ =	swait.ge @!p1 [sflag:s13], $0x80  }
0x66: {  	s14 =	simm.s32 @!p1 $0x14080;
	[sflag:s13] =	ssyncset.done @!p1 $0x0  }
0x67: {  	s12 =	simm.s32 @!p1 $0x18200;
	[sflag:s13] =	ssyncadd.s32 @!p1 $0xFFFFFF80;
	s13 =	simm.s32 @!p1 $0x80  }
0x68: {  	[tilespmem:s12], [sflag:$0x4] =	stream.indirect.gather @!p1 [hbm4b:s1+s13], $0x80, s14, s13, $0xb8;
	[tilespmem:$0x1EA00] =	vst v63  }
0x69: {  	v1 =	vld @!p0 [tilespmem:$0x14100];
	_ =	sdelay $0x6  }
0x6a: {  	v2 =	vimm.f32 @!p0 $1.000000000e+00;
	s12 =	simm.s32 @!p0 $0x1C200  }
0x6b: {  	[tilespmem:v1+s12+$0x0] =	vst.idx.add.f32.msk @!p0 $0xffff, v2  }
0x6c: {  	v1 =	vld @!p0 [tilespmem:$0x14110];
	_ =	sdelay $0x7  }
0x6d: {  	[tilespmem:v1+s12+$0x0] =	vst.idx.add.f32.msk @!p0 $0xffff, v2  }
0x6e: {  	v1 =	vld @!p0 [tilespmem:$0x14120];
	_ =	sdelay $0x7  }
0x6f: {  	[tilespmem:v1+s12+$0x0] =	vst.idx.add.f32.msk @!p0 $0xffff, v2  }
0x70: {  	v1 =	vld @!p0 [tilespmem:$0x14130];
	_ =	sdelay $0x7  }
0x71: {  	[tilespmem:v1+s12+$0x0] =	vst.idx.add.f32.msk @!p0 $0xffff, v2  }
0x72: {  	v1 =	vld @!p0 [tilespmem:$0x14140];
	_ =	sdelay $0x7  }
0x73: {  	[tilespmem:v1+s12+$0x0] =	vst.idx.add.f32.msk @!p0 $0xffff, v2  }
0x74: {  	v1 =	vld @!p0 [tilespmem:$0x14150];
	_ =	sdelay $0x7  }
0x75: {  	[tilespmem:v1+s12+$0x0] =	vst.idx.add.f32.msk @!p0 $0xffff, v2  }
0x76: {  	v1 =	vld @!p0 [tilespmem:$0x14160];
	_ =	sdelay $0x7  }
0x77: {  	[tilespmem:v1+s12+$0x0] =	vst.idx.add.f32.msk @!p0 $0xffff, v2  }
0x78: {  	v1 =	vld @!p0 [tilespmem:$0x14170];
	_ =	sdelay $0x7  }
0x79: {  	[tilespmem:v1+s12+$0x0] =	vst.idx.add.f32.msk @!p0 $0xffff, v2;
	s12 =	simm.s32 @!p0 $0x3  }
0x7a: {  	_ =	swait.ge @!p0 [sflag:s12], $0x4000  }
0x7b: {  	s13 =	simm.s32 @!p0 $0x14100;
	[sflag:s12] =	ssyncset.done @!p0 $0x0  }
0x7c: {  	s14 =	simm.s32 @!p0 $0x14200;
	[sflag:s12] =	ssyncadd.s32 @!p0 $0xFFFFC000;
	s12 =	simm.s32 @!p0 $0x80  }
0x7d: {  	[spmem:s2] =	stream.indirect.scatter.add.f32 @!p0 [tilespmem:s14], [sflag:$0x5], $0x80, s13, s12, $0xb8;
	[tilespmem:$0x1EA00] =	vst v63  }
0x7e: {  	s12 =	simm.s32 @!p0 $0x5  }
0x7f: {  	p1 =	sgt.u32 @!p0 s5, $0x983;
	_ =	swait.ge @!p0 [sflag:s12], $0x4000  }
0x80: {  	p1 =	por p1, p0;
	[sflag:s12] =	ssyncset.done @!p0 $0x0  }
0x81: {  	[sflag:s12] =	ssyncadd.s32 @!p0 $0xFFFFC000;
	s12 =	sadd.s32 @!p1 s3, s22  }
0x82: {  	s15 =	simm.s32 @!p1 $0x14000;
	s14 =	simm.s32 @!p1 $0x0;
	s13 =	sadd.s32 @!p1 $0x800, s12  }
0x83: {  	[tilespmem:s15], [sflag:$0x1] =	stream.linear.gather @!p1 [hbm4b:s13+s14], $0x80, $0x38;
	[tilespmem:$0x1EA00] =	vst v63  }
0x84: {  	s12 =	sadd.s32 @!p1 $0x810, s12;
	s13 =	simm.s32 @!p1 $0x14100  }
0x85: {  	[tilespmem:s13], [sflag:$0x1] =	stream.linear.gather @!p1 [hbm4b:s12+s14], $0x80, $0x38;
	[tilespmem:$0x1EA00] =	vst v63  }
0x86: {  	s12 =	sadd.s32 $0x20, s5  }
0x87: {  	p0 =	sgt.u32 s12, $0x9C3  }
0x88: {  	p1 =	sgt.u32 @!p0 s12, $0x9A3  }
0x89: {  	p1 =	por p1, p0  }
0x8a: {  	s13 =	simm.s32 @!p1 $0x1  }
0x8b: {  	_ =	swait.ge @!p1 [sflag:s13], $0x80  }
0x8c: {  	[sflag:s13] =	ssyncset.done @!p1 $0x0  }
0x8d: {  	[sflag:s13] =	ssyncadd.s32 @!p1 $0xFFFFFF80  }
0x8e: {  	_ =	swait.ge @!p1 [sflag:s13], $0x80  }
0x8f: {  	s14 =	simm.s32 @!p1 $0x14000;
	[sflag:s13] =	ssyncset.done @!p1 $0x0  }
0x90: {  	s15 =	simm.s32 @!p1 $0x14200;
	[sflag:s13] =	ssyncadd.s32 @!p1 $0xFFFFFF80;
	s13 =	simm.s32 @!p1 $0x80  }
0x91: {  	[tilespmem:s15], [sflag:$0x3] =	stream.indirect.gather @!p1 [hbm4b:s1+s13], $0x80, s14, s13, $0xb8;
	[tilespmem:$0x1EA00] =	vst v63  }
0x92: {  	v1 =	vld @!p0 [tilespmem:$0x14180];
	_ =	sdelay $0x6  }
0x93: {  	v2 =	vimm.f32 @!p0 $1.000000000e+00;
	s13 =	simm.s32 @!p0 $0x1C200  }
0x94: {  	[tilespmem:v1+s13+$0x0] =	vst.idx.add.f32.msk @!p0 $0xffff, v2  }
0x95: {  	v1 =	vld @!p0 [tilespmem:$0x14190];
	_ =	sdelay $0x7  }
0x96: {  	[tilespmem:v1+s13+$0x0] =	vst.idx.add.f32.msk @!p0 $0xffff, v2  }
0x97: {  	v1 =	vld @!p0 [tilespmem:$0x141A0];
	_ =	sdelay $0x7  }
0x98: {  	[tilespmem:v1+s13+$0x0] =	vst.idx.add.f32.msk @!p0 $0xffff, v2  }
0x99: {  	v1 =	vld @!p0 [tilespmem:$0x141B0];
	_ =	sdelay $0x7  }
0x9a: {  	[tilespmem:v1+s13+$0x0] =	vst.idx.add.f32.msk @!p0 $0xffff, v2  }
0x9b: {  	v1 =	vld @!p0 [tilespmem:$0x141C0];
	_ =	sdelay $0x7  }
0x9c: {  	[tilespmem:v1+s13+$0x0] =	vst.idx.add.f32.msk @!p0 $0xffff, v2  }
0x9d: {  	v1 =	vld @!p0 [tilespmem:$0x141D0];
	_ =	sdelay $0x7  }
0x9e: {  	[tilespmem:v1+s13+$0x0] =	vst.idx.add.f32.msk @!p0 $0xffff, v2  }
0x9f: {  	v1 =	vld @!p0 [tilespmem:$0x141E0];
	_ =	sdelay $0x7  }
0xa0: {  	[tilespmem:v1+s13+$0x0] =	vst.idx.add.f32.msk @!p0 $0xffff, v2  }
0xa1: {  	v1 =	vld @!p0 [tilespmem:$0x141F0];
	_ =	sdelay $0x7  }
0xa2: {  	[tilespmem:v1+s13+$0x0] =	vst.idx.add.f32.msk @!p0 $0xffff, v2;
	s13 =	simm.s32 @!p0 $0x4  }
0xa3: {  	_ =	swait.ge @!p0 [sflag:s13], $0x4000  }
0xa4: {  	s14 =	simm.s32 @!p0 $0x14180;
	[sflag:s13] =	ssyncset.done @!p0 $0x0  }
0xa5: {  	s15 =	simm.s32 @!p0 $0x18200;
	[sflag:s13] =	ssyncadd.s32 @!p0 $0xFFFFC000;
	s13 =	simm.s32 @!p0 $0x80  }
0xa6: {  	[spmem:s2] =	stream.indirect.scatter.add.f32 @!p0 [tilespmem:s15], [sflag:$0x5], $0x80, s14, s13, $0xb8;
	[tilespmem:$0x1EA00] =	vst v63  }
0xa7: {  	p1 =	sgt.u32 @!p0 s12, $0x983;
	s13 =	simm.s32 @!p0 $0x5  }
0xa8: {  	p1 =	por p1, p0;
	_ =	swait.ge @!p0 [sflag:s13], $0x4000  }
0xa9: {  	s12 =	sadd.s32 @!p1 s3, s22;
	s3 =	sadd.s32 $0x800, s3;
	[sflag:s13] =	ssyncset.done @!p0 $0x0  }
0xaa: {  	[sflag:s13] =	ssyncadd.s32 @!p0 $0xFFFFC000;
	p0 =	sne.s32 s3, $0x14000  }
.Ltmp2:
0xab: {  	_ = 	snop;
	(pc) =	sbr.rel @p0 .LBB2_6-.Ltmp2, $4  }
0xac: {  	s14 =	simm.s32 @!p1 $0x0;
	s15 =	simm.s32 @!p1 $0x14080;
	s13 =	sadd.s32 @!p1 $0xC00, s12  }
0xad: {  	[tilespmem:s15], [sflag:$0x2] =	stream.linear.gather @!p1 [hbm4b:s13+s14], $0x80, $0x38;
	[tilespmem:$0x1EA00] =	vst v63  }
0xae: {  	s5 =	sadd.s32 $0x40, s5;
	s12 =	sadd.s32 @!p1 $0xC10, s12;
	s13 =	simm.s32 @!p1 $0x14180  }
0xaf: {  	[tilespmem:s13], [sflag:$0x2] =	stream.linear.gather @!p1 [hbm4b:s12+s14], $0x80, $0x38;
	[tilespmem:$0x1EA00] =	vst v63  }
0xb0: {  	s3 =	rddreg [dreg:$0x9];
	s5 =	simm.s32 $0x400;
	s12 =	simm.s32 $0x1C200  }
0xb1: {  	[hbm4b:s3+s29] =	stream.strided.scatter [tilespmem:s12], [sflag:$0x1], $0x2800, s5, s29, $0x38;
	[tilespmem:$0x1EA00] =	vst v63  }
0xb2: {  	[bflag:$0x0] =	sbarrier.arrive $0xFFFF  }
0xb3: {  	[tilespmem:s23], [sflag:$0x5] =	stream.linear.gather [spmem:s6], $0x4000, $0x38;
	[tilespmem:$0x1EA00] =	vst v63  }
0xb4: {  	_ =	swait.ge [sflag:s26], $0x4000  }
0xb5: {  	[sflag:s26] =	ssyncset.done $0x0  }
0xb6: {  	[sflag:s26] =	ssyncadd.s32 $0xFFFFC000  }
0xb7: {  	[hbm4b:s16+s4] =	stream.linear.scatter [tilespmem:s23], [sflag:$0x3], $0x4000, $0x38;
	[tilespmem:$0x1EA00] =	vst v63  }
0xb8: {  	_ = 	snop  }
0xb9: {  	[tilespmem:s30], [sflag:$0x5] =	stream.linear.gather [spmem:s7], $0x4000, $0x38;
	[tilespmem:$0x1EA00] =	vst v63  }
0xba: {  	_ =	swait.ge [sflag:s26], $0x4000  }
0xbb: {  	[sflag:s26] =	ssyncset.done $0x0  }
0xbc: {  	[sflag:s26] =	ssyncadd.s32 $0xFFFFC000  }
0xbd: {  	[hbm4b:s17+s4] =	stream.linear.scatter [tilespmem:s30], [sflag:$0x4], $0x4000, $0x38;
	[tilespmem:$0x1EA00] =	vst v63  }
0xbe: {  	_ =	swait.ge [sflag:s24], $0x4000  }
0xbf: {  	[sflag:s24] =	ssyncset.done $0x0  }
0xc0: {  	[sflag:s24] =	ssyncadd.s32 $0xFFFFC000  }
0xc1: {  	[tilespmem:s23], [sflag:$0x5] =	stream.linear.gather [spmem:s8], $0x4000, $0x38;
	[tilespmem:$0x1EA00] =	vst v63  }
0xc2: {  	_ =	swait.ge [sflag:s26], $0x4000  }
0xc3: {  	[sflag:s26] =	ssyncset.done $0x0  }
0xc4: {  	[sflag:s26] =	ssyncadd.s32 $0xFFFFC000  }
0xc5: {  	[hbm4b:s18+s4] =	stream.linear.scatter [tilespmem:s23], [sflag:$0x3], $0x4000, $0x38;
	[tilespmem:$0x1EA00] =	vst v63  }
0xc6: {  	_ =	swait.ge [sflag:s31], $0x4000  }
0xc7: {  	[sflag:s31] =	ssyncset.done $0x0  }
0xc8: {  	[sflag:s31] =	ssyncadd.s32 $0xFFFFC000  }
0xc9: {  	[tilespmem:s30], [sflag:$0x5] =	stream.linear.gather [spmem:s9], $0x4000, $0x38;
	[tilespmem:$0x1EA00] =	vst v63  }
0xca: {  	_ =	swait.ge [sflag:s26], $0x4000  }
0xcb: {  	[sflag:s26] =	ssyncset.done $0x0  }
0xcc: {  	[sflag:s26] =	ssyncadd.s32 $0xFFFFC000  }
0xcd: {  	[hbm4b:s19+s4] =	stream.linear.scatter [tilespmem:s30], [sflag:$0x4], $0x4000, $0x38;
	[tilespmem:$0x1EA00] =	vst v63  }
0xce: {  	_ =	swait.ge [sflag:s24], $0x4000  }
0xcf: {  	[sflag:s24] =	ssyncset.done $0x0  }
0xd0: {  	[sflag:s24] =	ssyncadd.s32 $0xFFFFC000  }
0xd1: {  	[tilespmem:s23], [sflag:$0x5] =	stream.linear.gather [spmem:s10], $0x4000, $0x38;
	[tilespmem:$0x1EA00] =	vst v63  }
0xd2: {  	_ =	swait.ge [sflag:s26], $0x4000  }
0xd3: {  	[sflag:s26] =	ssyncset.done $0x0  }
0xd4: {  	[sflag:s26] =	ssyncadd.s32 $0xFFFFC000  }
0xd5: {  	[hbm4b:s20+s4] =	stream.linear.scatter [tilespmem:s23], [sflag:$0x3], $0x4000, $0x38;
	[tilespmem:$0x1EA00] =	vst v63  }
0xd6: {  	_ =	swait.ge [sflag:s31], $0x4000  }
0xd7: {  	[sflag:s31] =	ssyncset.done $0x0  }
0xd8: {  	s0 =	sadd.s32 $0x1, s0;
	[sflag:s31] =	ssyncadd.s32 $0xFFFFC000  }
0xd9: {  	p0 =	sne.s32 s0, s21;
	_ =	swait.ge [sflag:s24], $0x4000  }
.Ltmp3:
0xda: {  	[sflag:s24] =	ssyncset.done $0x0;
	(pc) =	sbr.rel @p0 .LBB2_1-.Ltmp3, $4  }
0xdb: {  	[sflag:s24] =	ssyncadd.s32 $0xFFFFC000  }
0xdc: {  	_ =	swait.ge [sflag:s28], $0x2800  }
0xdd: {  	[sflag:s28] =	ssyncset.done $0x0  }
0xde: {  	[sflag:s28] =	ssyncadd.s32 $0xFFFFD800  }
0xdf: {  	_ =	sfence.sel $0x180000  }
0xe0: {  	[bflag:$0x0] =	sbarrier.arrive $0xFFFF  }
0xe1: {  	_ =	strace $0x90000047  }
0xe2: {  	s0 =	stileid.u32;
	[bflag:$0x2] =	sbarrier.arrive $0xFFFF  }
0xe3: {  	p0 =	sne.s32 s0, $0x0;
	s0 =	rddreg [dreg:$0x5]  }
0xe4: {  	s0 =	sadd.s32 @!p0 $0x100000, s0  }
0xe5: {  	[sflag:s0] =	ssyncadd.tile.s32 @!p0 $0x1;
	_ =	shalt  }
.Lfunc_end2:
_tile_overlayer_lowered:
.L_overlay_start_2:
0xe6: {  	(tag) =	ssettag $0x2  }
0xe7: {  	s0 =	rddreg [dreg:$0x0];
	s2 =	stileid.u32  }
0xe8: {  	s1 =	rddreg [dreg:$0x1];
	p0 =	sne.s32 s2, $0x0  }
0xe9: {  	s3 =	rddreg [dreg:$0x2];
	[bflag:$0x3] =	sbarrier.arrive $0xFFFF;
	s2 =	simm.s32 @!p0 $0x1C05  }
0xea: {  	[timem:s3], [sflag:s2] =	dma.local @!p0 [hbm:s0], s1  }
0xeb: {  	s0 =	simm.s32 @!p0 $0x5  }
0xec: {  	_ =	swait.ge @!p0 [sflag:s0], s1  }
0xed: {  	s1 =	ssub.s32 @!p0 $0x0, s1;
	[sflag:s0] =	ssyncset.done @!p0 $0x0  }
0xee: {  	[sflag:s0] =	ssyncadd.s32 @!p0 s1  }
0xef: {  	[bflag:$0x3] =	sbarrier.arrive $0xFFFF  }
0xf0: {  	_ =	shalt  }

</sc_bundles>
